<compile_context>
chip_gen: v7x
topology: tpu7x:2x2x1
jax: 0.10.2.dev20260603
libtpu: 0.0.44.dev20260713+nightly
codegen_flags: <defaults>
</compile_context>

<pallas_src>
import functools

import jax
import jax.numpy as jnp
from jax import lax
from jax.experimental import pallas as pl
from jax.experimental.pallas import tpu as pltpu
from jax.experimental.pallas import tpu_sc as plsc


def _tc_reduce_body(x_ref, attr_ref, a_ref, *, num_patches, patch, m_blk, mm):
    i = pl.program_id(0)
    for j in range(m_blk):
        b = (i * m_blk + j) // mm
        s = jnp.sign(x_ref[b])
        v = jnp.maximum(attr_ref[j] * s[None, :], 0.0)
        psum = v.reshape(num_patches, patch, v.shape[-1]).sum(axis=(1, 2))
        a_ref[j, 0] = psum


def _sc_pd_body(x_hbm, wt_hbm, out_hbm, xv, wv, outv, *, mm, num_patches,
                patch):
    nc = 2
    wid = lax.axis_index("s") * nc + lax.axis_index("c")
    pltpu.sync_copy(x_hbm, xv)
    pltpu.sync_copy(wt_hbm, wv)
    for j in range(2):
        bm = wid * 2 + j
        b = bm // mm
        m = bm % mm
        for p in range(num_patches):
            acc = jnp.zeros((16,), jnp.float32)
            for c in range(patch // 16):
                off = p * patch + c * 16
                acc = acc + xv[b, pl.ds(off, 16)] * wv[m, pl.ds(off, 16)]
            outv[pl.ds((j * num_patches + p) * 16, 16)] = acc
    sz = 2 * num_patches * 16
    pltpu.sync_copy(outv, out_hbm.at[pl.ds(wid * sz, sz)])


def _tail_body(a_ref, pd_sc_ref, biasr_ref, out_ref, *, num_patches, patch):
    P = num_patches
    a_full = a_ref[:]
    pd = jnp.sum(pd_sc_ref[:], axis=-1)

    a2 = a_full
    ap = a2[:, :, None]
    aq = a2[:, None, :]
    qi = jax.lax.broadcasted_iota(jnp.int32, (a2.shape[0], P, P), 2)
    pi = jax.lax.broadcasted_iota(jnp.int32, (a2.shape[0], P, P), 1)
    beats = (aq > ap) | ((aq == ap) & (qi < pi))
    rank = jnp.sum(beats.astype(jnp.float32), axis=-1)
    wgt = jnp.float32(P) - rank

    S = jnp.sum(wgt * pd, axis=-1, keepdims=True)
    biasr = biasr_ref[:]
    inf0 = jnp.sum(pd, axis=-1, keepdims=True) + biasr
    dx = jnp.float32(1.0 / (P + 2))
    out_ref[:] = dx * (0.5 * (1.0 + biasr / inf0)
                       + (jnp.float32(P) * inf0 - S) / inf0)


def kernel(x, attr, mask, W, bias):
    B, M, F, N = attr.shape
    patch = int(F * 0.0625)
    P = F // patch
    BM = B * M

    attr3 = attr.reshape(BM, F, N)

    M_BLK = 2
    a = pl.pallas_call(
        functools.partial(_tc_reduce_body, num_patches=P, patch=patch,
                          m_blk=M_BLK, mm=M),
        grid=(BM // M_BLK,),
        in_specs=[
            pl.BlockSpec((B, N), lambda i: (0, 0)),
            pl.BlockSpec((M_BLK, F, N), lambda i: (i, 0, 0)),
        ],
        out_specs=pl.BlockSpec((M_BLK, 1, P), lambda i: (i, 0, 0)),
        out_shape=jax.ShapeDtypeStruct((BM, 1, P), jnp.float32),
    )(x, attr3)

    a2 = a.reshape(BM, P)

    mesh = plsc.VectorSubcoreMesh(core_axis_name="c", subcore_axis_name="s")
    pd_sc = pl.kernel(
        functools.partial(_sc_pd_body, mm=M, num_patches=P, patch=patch),
        out_type=jax.ShapeDtypeStruct((BM * P * 16,), jnp.float32),
        mesh=mesh,
        scratch_types=[
            pltpu.VMEM((B, N), jnp.float32),
            pltpu.VMEM((M, N), jnp.float32),
            pltpu.VMEM((2 * P * 16,), jnp.float32),
        ],
    )(x, W.T)

    biasr = jnp.tile(bias, B).reshape(BM, 1)

    out_flat = pl.pallas_call(
        functools.partial(_tail_body, num_patches=P, patch=patch),
        out_shape=jax.ShapeDtypeStruct((BM, 1), jnp.float32),
    )(a2, pd_sc.reshape(BM, P, 16), biasr)
    return out_flat.reshape(B, M)

# --- scband reference (transcript-rebuilt; emitter-appended) ---
"""Pipeline reference for scband-tfinfidelity-67894843015865 (READ-ONLY COPY).

The authoritative reference and input builder live on the scoring server;
editing this copy changes nothing except your own understanding.
"""

import jax, jax.numpy as jnp
import numpy as np

PATCH = 0.0
PERCENTAGE = 0.0625


def _trapezoid(y, dx):
    # torch.trapezoid along dim 0 with uniform spacing dx
    return dx * (0.5 * (y[0] + y[-1]) + jnp.sum(y[1:-1], axis=0))


def _f_model(x, W, bias):
    # the wrapped classifier f: a linear model x @ W + bias -> [B, M]
    return x @ W + bias


def setup_inputs(seed: int = 0) -> dict:
    key = jax.random.key(seed)
    k1, k2, k3, k4 = jax.random.split(key, 4)
    B, M, F, N = 8, 8, 1024, 1024
    x = jax.random.normal(k1, (B, N), dtype=jnp.float32)
    attr = jax.random.normal(k2, (B, M, F, N), dtype=jnp.float32)
    mask = jnp.ones((B, N), dtype=jnp.float32)
    W = jax.random.normal(k3, (N, M), dtype=jnp.float32) * 0.02
    bias = 4.0 + 0.1 * jax.random.normal(k4, (M,), dtype=jnp.float32)
    return {"x": x, "attr": attr, "mask": mask, "W": W, "bias": bias}


def reference(x, attr, mask, W, bias):
    B, M, F, N = attr.shape
    a = jnp.einsum('bmfn,bn->bmfn', attr, jnp.sign(x))
    a = jax.nn.relu(a).sum(-1)  # [B, M, F]
    patch_size = int(F * PERCENTAGE)
    a = a.reshape(B, M, -1, patch_size).sum(-1)  # [B, M, P]
    sorted_attr = jnp.argsort(-a, axis=-1)  # descending
    P = sorted_attr.shape[-1]
    inf0 = _f_model(x, W, bias)  # [B, M]
    results = []
    for c in range(M):
        x_ = x
        steps = [inf0[:, c]]
        for i in range(P):
            for b in range(B):
                start = (sorted_attr[b, c, i] * patch_size).astype(jnp.int32)
                upd = jnp.full((1, patch_size), PATCH, dtype=x_.dtype)
                x_ = jax.lax.dynamic_update_slice(x_, upd, (jnp.int32(b), start))
            steps.append(_f_model(x_, W, bias)[:, c])
        steps.append(_f_model(jnp.full_like(x_, PATCH), W, bias)[:, c])
        inf = jnp.stack(steps, axis=0)  # [P+2, B]
        inf = inf * (1.0 / inf[0])[None, :]
        results.append(_trapezoid(inf, 1.0 / inf.shape[0]))
    infidelity = jnp.stack(results, axis=0)  # [M, B]
    return jnp.transpose(infidelity, (1, 0))  # [B, M]

if __name__ == "__main__":
    import jax
    _d = setup_inputs()
    print(jax.jit(kernel)(*tuple(_d.values())))

</pallas_src>

<mosaic_0001>
#map = affine_map<(d0, d1) -> (0, 0)>
#map1 = affine_map<(d0, d1) -> (0)>
module attributes {stable_mosaic.version = 14 : i64} {
  func.func @_sc_pd_body(%arg0: i32, %arg1: i32, %arg2: memref<8x1024xf32, #tpu.memory_space<hbm>>, %arg3: memref<8x1024xf32, #tpu.memory_space<hbm>>, %arg4: memref<16384xf32, #tpu.memory_space<hbm>>, %arg5: memref<8x1024xf32, #tpu.memory_space<vmem>>, %arg6: memref<8x1024xf32, #tpu.memory_space<vmem>>, %arg7: memref<512xf32, #tpu.memory_space<vmem>>) attributes {dimension_semantics = [#tpu.dimension_semantics<core_parallel>, #tpu.dimension_semantics<subcore_parallel>], iteration_bounds = array<i64: 2, 16>, scalar_prefetch = 0 : i64, scratch_operands = 3 : i64, tpu.core_type = #tpu.core_type<sc_vector_subcore>, window_params = [{transform_indices = #map}, {transform_indices = #map}, {transform_indices = #map1}]} {
    %mul3A = arith.constant 2 : i32
    %mul3A_0 = arith.muli %arg1, %mul3A : i32
    %add3A = arith.addi %mul3A_0, %arg0 : i32
    "tpu.region"() ({
      %run_scoped3A = tpu.sem_alloc : memref<!tpu.dma_semaphore, #tpu.memory_space<semaphore_mem>>
      tpu.enqueue_dma source(%arg2 : memref<8x1024xf32, #tpu.memory_space<hbm>>) target(%arg5 : memref<8x1024xf32, #tpu.memory_space<vmem>>) target_semaphore(%run_scoped3A : memref<!tpu.dma_semaphore, #tpu.memory_space<semaphore_mem>>)
      tpu.wait_dma2 semaphore(%run_scoped3A : memref<!tpu.dma_semaphore, #tpu.memory_space<semaphore_mem>>) src(%arg2 : memref<8x1024xf32, #tpu.memory_space<hbm>>) dst(%arg5 : memref<8x1024xf32, #tpu.memory_space<vmem>>)
      tpu.yield
    }) : () -> ()
    "tpu.region"() ({
      %run_scoped3A = tpu.sem_alloc : memref<!tpu.dma_semaphore, #tpu.memory_space<semaphore_mem>>
      tpu.enqueue_dma source(%arg3 : memref<8x1024xf32, #tpu.memory_space<hbm>>) target(%arg6 : memref<8x1024xf32, #tpu.memory_space<vmem>>) target_semaphore(%run_scoped3A : memref<!tpu.dma_semaphore, #tpu.memory_space<semaphore_mem>>)
      tpu.wait_dma2 semaphore(%run_scoped3A : memref<!tpu.dma_semaphore, #tpu.memory_space<semaphore_mem>>) src(%arg3 : memref<8x1024xf32, #tpu.memory_space<hbm>>) dst(%arg6 : memref<8x1024xf32, #tpu.memory_space<vmem>>)
      tpu.yield
    }) : () -> ()
    %mul3A_1 = arith.constant 2 : i32
    %mul3A_2 = arith.muli %add3A, %mul3A_1 : i32
    %add3A_3 = arith.constant 0 : i32
    %add3A_4 = arith.addi %mul3A_2, %add3A_3 : i32
    %jit3A = arith.constant 8 : i32
    %div3A = arith.divsi %add3A_4, %jit3A : i32
    %sign3A = arith.constant 0 : i32
    %sign3A_5 = arith.cmpi sgt, %add3A_4, %sign3A : i32
    %sign3A_6 = arith.extui %sign3A_5 : i1 to i32
    %sign3A_7 = arith.constant 0 : i32
    %sign3A_8 = arith.cmpi slt, %add3A_4, %sign3A_7 : i32
    %sign3A_9 = arith.extui %sign3A_8 : i1 to i32
    %sign3A_10 = arith.subi %sign3A_6, %sign3A_9 : i32
    %sign3A_11 = arith.constant 0 : i32
    %sign3A_12 = arith.cmpi sgt, %jit3A, %sign3A_11 : i32
    %sign3A_13 = arith.extui %sign3A_12 : i1 to i32
    %sign3A_14 = arith.constant 0 : i32
    %sign3A_15 = arith.cmpi slt, %jit3A, %sign3A_14 : i32
    %sign3A_16 = arith.extui %sign3A_15 : i1 to i32
    %sign3A_17 = arith.subi %sign3A_13, %sign3A_16 : i32
    %ne3A = arith.cmpi ne, %sign3A_10, %sign3A_17 : i32
    %rem3A = arith.remsi %add3A_4, %jit3A : i32
    %ne3A_18 = arith.constant 0 : i32
    %ne3A_19 = arith.cmpi ne, %rem3A, %ne3A_18 : i32
    %and3A = arith.andi %ne3A, %ne3A_19 : i1
    %sub3A = arith.constant 1 : i32
    %sub3A_20 = arith.subi %div3A, %sub3A : i32
    %select_n3A = arith.select %and3A, %sub3A_20, %div3A : i32
    %jit3A_21 = arith.constant 8 : i32
    %eq3A = arith.constant 0 : i32
    %eq3A_22 = arith.cmpi eq, %jit3A_21, %eq3A : i32
    %jit3A_23 = arith.constant 1 : i32
    %select_n3A_24 = arith.select %eq3A_22, %jit3A_23, %jit3A_21 : i32
    %rem3A_25 = arith.remsi %add3A_4, %select_n3A_24 : i32
    %ne3A_26 = arith.constant 0 : i32
    %ne3A_27 = arith.cmpi ne, %rem3A_25, %ne3A_26 : i32
    %lt3A = arith.constant 0 : i32
    %lt3A_28 = arith.cmpi slt, %rem3A_25, %lt3A : i32
    %lt3A_29 = arith.constant 0 : i32
    %lt3A_30 = arith.cmpi slt, %select_n3A_24, %lt3A_29 : i32
    %ne3A_31 = arith.xori %lt3A_28, %lt3A_30 : i1
    %and3A_32 = arith.andi %ne3A_31, %ne3A_27 : i1
    %add3A_33 = arith.addi %rem3A_25, %select_n3A_24 : i32
    %select_n3A_34 = arith.select %and3A_32, %add3A_33, %rem3A_25 : i32
    %broadcast_in_dim3A = arith.constant 0.000000e+00 : f32
    %broadcast_in_dim3A_35 = vector.broadcast %broadcast_in_dim3A : f32 to vector<16xf32>
    %get3A = arith.index_cast %select_n3A : i32 to index
    %get3A_36 = arith.constant 0 : index
    %get3A_37 = tpu.vector_load %arg5[%get3A, %get3A_36] {strides = array<i32>} : memref<8x1024xf32, #tpu.memory_space<vmem>>, vector<1x16xf32>,
    %get3A_38 = vector.shape_cast %get3A_37 : vector<1x16xf32> to vector<16xf32>
    %get3A_39 = arith.index_cast %select_n3A_34 : i32 to index
    %get3A_40 = arith.constant 0 : index
    %get3A_41 = tpu.vector_load %arg6[%get3A_39, %get3A_40] {strides = array<i32>} : memref<8x1024xf32, #tpu.memory_space<vmem>>, vector<1x16xf32>,
    %get3A_42 = vector.shape_cast %get3A_41 : vector<1x16xf32> to vector<16xf32>
    %mul3A_43 = arith.mulf %get3A_38, %get3A_42 : vector<16xf32>
    %add3A_44 = arith.addf %broadcast_in_dim3A_35, %mul3A_43 : vector<16xf32>
    %get3A_45 = arith.index_cast %select_n3A : i32 to index
    %get3A_46 = arith.constant 16 : index
    %get3A_47 = tpu.vector_load %arg5[%get3A_45, %get3A_46] {strides = array<i32>} : memref<8x1024xf32, #tpu.memory_space<vmem>>, vector<1x16xf32>,
    %get3A_48 = vector.shape_cast %get3A_47 : vector<1x16xf32> to vector<16xf32>
    %get3A_49 = arith.index_cast %select_n3A_34 : i32 to index
    %get3A_50 = arith.constant 16 : index
    %get3A_51 = tpu.vector_load %arg6[%get3A_49, %get3A_50] {strides = array<i32>} : memref<8x1024xf32, #tpu.memory_space<vmem>>, vector<1x16xf32>,
    %get3A_52 = vector.shape_cast %get3A_51 : vector<1x16xf32> to vector<16xf32>
    %mul3A_53 = arith.mulf %get3A_48, %get3A_52 : vector<16xf32>
    %add3A_54 = arith.addf %add3A_44, %mul3A_53 : vector<16xf32>
    %get3A_55 = arith.index_cast %select_n3A : i32 to index
    %get3A_56 = arith.constant 32 : index
    %get3A_57 = tpu.vector_load %arg5[%get3A_55, %get3A_56] {strides = array<i32>} : memref<8x1024xf32, #tpu.memory_space<vmem>>, vector<1x16xf32>,
    %get3A_58 = vector.shape_cast %get3A_57 : vector<1x16xf32> to vector<16xf32>
    %get3A_59 = arith.index_cast %select_n3A_34 : i32 to index
    %get3A_60 = arith.constant 32 : index
    %get3A_61 = tpu.vector_load %arg6[%get3A_59, %get3A_60] {strides = array<i32>} : memref<8x1024xf32, #tpu.memory_space<vmem>>, vector<1x16xf32>,
    %get3A_62 = vector.shape_cast %get3A_61 : vector<1x16xf32> to vector<16xf32>
    %mul3A_63 = arith.mulf %get3A_58, %get3A_62 : vector<16xf32>
    %add3A_64 = arith.addf %add3A_54, %mul3A_63 : vector<16xf32>
    %get3A_65 = arith.index_cast %select_n3A : i32 to index
    %get3A_66 = arith.constant 48 : index
    %get3A_67 = tpu.vector_load %arg5[%get3A_65, %get3A_66] {strides = array<i32>} : memref<8x1024xf32, #tpu.memory_space<vmem>>, vector<1x16xf32>,
    %get3A_68 = vector.shape_cast %get3A_67 : vector<1x16xf32> to vector<16xf32>
    %get3A_69 = arith.index_cast %select_n3A_34 : i32 to index
    %get3A_70 = arith.constant 48 : index
    %get3A_71 = tpu.vector_load %arg6[%get3A_69, %get3A_70] {strides = array<i32>} : memref<8x1024xf32, #tpu.memory_space<vmem>>, vector<1x16xf32>,
    %get3A_72 = vector.shape_cast %get3A_71 : vector<1x16xf32> to vector<16xf32>
    %mul3A_73 = arith.mulf %get3A_68, %get3A_72 : vector<16xf32>
    %add3A_74 = arith.addf %add3A_64, %mul3A_73 : vector<16xf32>
    %swap3A = arith.constant 0 : index
    %swap3A_75 = tpu.vector_load %arg7[%swap3A] {strides = array<i32>} : memref<512xf32, #tpu.memory_space<vmem>>, vector<16xf32>,
    %swap3A_76 = vector.shape_cast %swap3A_75 : vector<16xf32> to vector<16xf32>
    %swap3A_77 = vector.shape_cast %add3A_74 : vector<16xf32> to vector<16xf32>
    tpu.vector_store %arg7[%swap3A], %swap3A_77 {strides = array<i32>} : memref<512xf32, #tpu.memory_space<vmem>>, vector<16xf32>,
    %broadcast_in_dim3A_78 = arith.constant 0.000000e+00 : f32
    %broadcast_in_dim3A_79 = vector.broadcast %broadcast_in_dim3A_78 : f32 to vector<16xf32>
    %get3A_80 = arith.index_cast %select_n3A : i32 to index
    %get3A_81 = arith.constant 64 : index
    %get3A_82 = tpu.vector_load %arg5[%get3A_80, %get3A_81] {strides = array<i32>} : memref<8x1024xf32, #tpu.memory_space<vmem>>, vector<1x16xf32>,
    %get3A_83 = vector.shape_cast %get3A_82 : vector<1x16xf32> to vector<16xf32>
    %get3A_84 = arith.index_cast %select_n3A_34 : i32 to index
    %get3A_85 = arith.constant 64 : index
    %get3A_86 = tpu.vector_load %arg6[%get3A_84, %get3A_85] {strides = array<i32>} : memref<8x1024xf32, #tpu.memory_space<vmem>>, vector<1x16xf32>,
    %get3A_87 = vector.shape_cast %get3A_86 : vector<1x16xf32> to vector<16xf32>
    %mul3A_88 = arith.mulf %get3A_83, %get3A_87 : vector<16xf32>
    %add3A_89 = arith.addf %broadcast_in_dim3A_79, %mul3A_88 : vector<16xf32>
    %get3A_90 = arith.index_cast %select_n3A : i32 to index
    %get3A_91 = arith.constant 80 : index
    %get3A_92 = tpu.vector_load %arg5[%get3A_90, %get3A_91] {strides = array<i32>} : memref<8x1024xf32, #tpu.memory_space<vmem>>, vector<1x16xf32>,
    %get3A_93 = vector.shape_cast %get3A_92 : vector<1x16xf32> to vector<16xf32>
    %get3A_94 = arith.index_cast %select_n3A_34 : i32 to index
    %get3A_95 = arith.constant 80 : index
    %get3A_96 = tpu.vector_load %arg6[%get3A_94, %get3A_95] {strides = array<i32>} : memref<8x1024xf32, #tpu.memory_space<vmem>>, vector<1x16xf32>,
    %get3A_97 = vector.shape_cast %get3A_96 : vector<1x16xf32> to vector<16xf32>
    %mul3A_98 = arith.mulf %get3A_93, %get3A_97 : vector<16xf32>
    %add3A_99 = arith.addf %add3A_89, %mul3A_98 : vector<16xf32>
    %get3A_100 = arith.index_cast %select_n3A : i32 to index
    %get3A_101 = arith.constant 96 : index
    %get3A_102 = tpu.vector_load %arg5[%get3A_100, %get3A_101] {strides = array<i32>} : memref<8x1024xf32, #tpu.memory_space<vmem>>, vector<1x16xf32>,
    %get3A_103 = vector.shape_cast %get3A_102 : vector<1x16xf32> to vector<16xf32>
    %get3A_104 = arith.index_cast %select_n3A_34 : i32 to index
    %get3A_105 = arith.constant 96 : index
    %get3A_106 = tpu.vector_load %arg6[%get3A_104, %get3A_105] {strides = array<i32>} : memref<8x1024xf32, #tpu.memory_space<vmem>>, vector<1x16xf32>,
    %get3A_107 = vector.shape_cast %get3A_106 : vector<1x16xf32> to vector<16xf32>
    %mul3A_108 = arith.mulf %get3A_103, %get3A_107 : vector<16xf32>
    %add3A_109 = arith.addf %add3A_99, %mul3A_108 : vector<16xf32>
    %get3A_110 = arith.index_cast %select_n3A : i32 to index
    %get3A_111 = arith.constant 112 : index
    %get3A_112 = tpu.vector_load %arg5[%get3A_110, %get3A_111] {strides = array<i32>} : memref<8x1024xf32, #tpu.memory_space<vmem>>, vector<1x16xf32>,
    %get3A_113 = vector.shape_cast %get3A_112 : vector<1x16xf32> to vector<16xf32>
    %get3A_114 = arith.index_cast %select_n3A_34 : i32 to index
    %get3A_115 = arith.constant 112 : index
    %get3A_116 = tpu.vector_load %arg6[%get3A_114, %get3A_115] {strides = array<i32>} : memref<8x1024xf32, #tpu.memory_space<vmem>>, vector<1x16xf32>,
    %get3A_117 = vector.shape_cast %get3A_116 : vector<1x16xf32> to vector<16xf32>
    %mul3A_118 = arith.mulf %get3A_113, %get3A_117 : vector<16xf32>
    %add3A_119 = arith.addf %add3A_109, %mul3A_118 : vector<16xf32>
    %swap3A_120 = arith.constant 16 : index
    %swap3A_121 = tpu.vector_load %arg7[%swap3A_120] {strides = array<i32>} : memref<512xf32, #tpu.memory_space<vmem>>, vector<16xf32>,
    %swap3A_122 = vector.shape_cast %swap3A_121 : vector<16xf32> to vector<16xf32>
    %swap3A_123 = vector.shape_cast %add3A_119 : vector<16xf32> to vector<16xf32>
    tpu.vector_store %arg7[%swap3A_120], %swap3A_123 {strides = array<i32>} : memref<512xf32, #tpu.memory_space<vmem>>, vector<16xf32>,
    %broadcast_in_dim3A_124 = arith.constant 0.000000e+00 : f32
    %broadcast_in_dim3A_125 = vector.broadcast %broadcast_in_dim3A_124 : f32 to vector<16xf32>
    %get3A_126 = arith.index_cast %select_n3A : i32 to index
    %get3A_127 = arith.constant 128 : index
    %get3A_128 = tpu.vector_load %arg5[%get3A_126, %get3A_127] {strides = array<i32>} : memref<8x1024xf32, #tpu.memory_space<vmem>>, vector<1x16xf32>,
    %get3A_129 = vector.shape_cast %get3A_128 : vector<1x16xf32> to vector<16xf32>
    %get3A_130 = arith.index_cast %select_n3A_34 : i32 to index
    %get3A_131 = arith.constant 128 : index
    %get3A_132 = tpu.vector_load %arg6[%get3A_130, %get3A_131] {strides = array<i32>} : memref<8x1024xf32, #tpu.memory_space<vmem>>, vector<1x16xf32>,
    %get3A_133 = vector.shape_cast %get3A_132 : vector<1x16xf32> to vector<16xf32>
    %mul3A_134 = arith.mulf %get3A_129, %get3A_133 : vector<16xf32>
    %add3A_135 = arith.addf %broadcast_in_dim3A_125, %mul3A_134 : vector<16xf32>
    %get3A_136 = arith.index_cast %select_n3A : i32 to index
    %get3A_137 = arith.constant 144 : index
    %get3A_138 = tpu.vector_load %arg5[%get3A_136, %get3A_137] {strides = array<i32>} : memref<8x1024xf32, #tpu.memory_space<vmem>>, vector<1x16xf32>,
    %get3A_139 = vector.shape_cast %get3A_138 : vector<1x16xf32> to vector<16xf32>
    %get3A_140 = arith.index_cast %select_n3A_34 : i32 to index
    %get3A_141 = arith.constant 144 : index
    %get3A_142 = tpu.vector_load %arg6[%get3A_140, %get3A_141] {strides = array<i32>} : memref<8x1024xf32, #tpu.memory_space<vmem>>, vector<1x16xf32>,
    %get3A_143 = vector.shape_cast %get3A_142 : vector<1x16xf32> to vector<16xf32>
    %mul3A_144 = arith.mulf %get3A_139, %get3A_143 : vector<16xf32>
    %add3A_145 = arith.addf %add3A_135, %mul3A_144 : vector<16xf32>
    %get3A_146 = arith.index_cast %select_n3A : i32 to index
    %get3A_147 = arith.constant 160 : index
    %get3A_148 = tpu.vector_load %arg5[%get3A_146, %get3A_147] {strides = array<i32>} : memref<8x1024xf32, #tpu.memory_space<vmem>>, vector<1x16xf32>,
    %get3A_149 = vector.shape_cast %get3A_148 : vector<1x16xf32> to vector<16xf32>
    %get3A_150 = arith.index_cast %select_n3A_34 : i32 to index
    %get3A_151 = arith.constant 160 : index
    %get3A_152 = tpu.vector_load %arg6[%get3A_150, %get3A_151] {strides = array<i32>} : memref<8x1024xf32, #tpu.memory_space<vmem>>, vector<1x16xf32>,
    %get3A_153 = vector.shape_cast %get3A_152 : vector<1x16xf32> to vector<16xf32>
    %mul3A_154 = arith.mulf %get3A_149, %get3A_153 : vector<16xf32>
    %add3A_155 = arith.addf %add3A_145, %mul3A_154 : vector<16xf32>
    %get3A_156 = arith.index_cast %select_n3A : i32 to index
    %get3A_157 = arith.constant 176 : index
    %get3A_158 = tpu.vector_load %arg5[%get3A_156, %get3A_157] {strides = array<i32>} : memref<8x1024xf32, #tpu.memory_space<vmem>>, vector<1x16xf32>,
    %get3A_159 = vector.shape_cast %get3A_158 : vector<1x16xf32> to vector<16xf32>
    %get3A_160 = arith.index_cast %select_n3A_34 : i32 to index
    %get3A_161 = arith.constant 176 : index
    %get3A_162 = tpu.vector_load %arg6[%get3A_160, %get3A_161] {strides = array<i32>} : memref<8x1024xf32, #tpu.memory_space<vmem>>, vector<1x16xf32>,
    %get3A_163 = vector.shape_cast %get3A_162 : vector<1x16xf32> to vector<16xf32>
    %mul3A_164 = arith.mulf %get3A_159, %get3A_163 : vector<16xf32>
    %add3A_165 = arith.addf %add3A_155, %mul3A_164 : vector<16xf32>
    %swap3A_166 = arith.constant 32 : index
    %swap3A_167 = tpu.vector_load %arg7[%swap3A_166] {strides = array<i32>} : memref<512xf32, #tpu.memory_space<vmem>>, vector<16xf32>,
    %swap3A_168 = vector.shape_cast %swap3A_167 : vector<16xf32> to vector<16xf32>
    %swap3A_169 = vector.shape_cast %add3A_165 : vector<16xf32> to vector<16xf32>
    tpu.vector_store %arg7[%swap3A_166], %swap3A_169 {strides = array<i32>} : memref<512xf32, #tpu.memory_space<vmem>>, vector<16xf32>,
    %broadcast_in_dim3A_170 = arith.constant 0.000000e+00 : f32
    %broadcast_in_dim3A_171 = vector.broadcast %broadcast_in_dim3A_170 : f32 to vector<16xf32>
    %get3A_172 = arith.index_cast %select_n3A : i32 to index
    %get3A_173 = arith.constant 192 : index
    %get3A_174 = tpu.vector_load %arg5[%get3A_172, %get3A_173] {strides = array<i32>} : memref<8x1024xf32, #tpu.memory_space<vmem>>, vector<1x16xf32>,
    %get3A_175 = vector.shape_cast %get3A_174 : vector<1x16xf32> to vector<16xf32>
    %get3A_176 = arith.index_cast %select_n3A_34 : i32 to index
    %get3A_177 = arith.constant 192 : index
    %get3A_178 = tpu.vector_load %arg6[%get3A_176, %get3A_177] {strides = array<i32>} : memref<8x1024xf32, #tpu.memory_space<vmem>>, vector<1x16xf32>,
    %get3A_179 = vector.shape_cast %get3A_178 : vector<1x16xf32> to vector<16xf32>
    %mul3A_180 = arith.mulf %get3A_175, %get3A_179 : vector<16xf32>
    %add3A_181 = arith.addf %broadcast_in_dim3A_171, %mul3A_180 : vector<16xf32>
    %get3A_182 = arith.index_cast %select_n3A : i32 to index
    %get3A_183 = arith.constant 208 : index
    %get3A_184 = tpu.vector_load %arg5[%get3A_182, %get3A_183] {strides = array<i32>} : memref<8x1024xf32, #tpu.memory_space<vmem>>, vector<1x16xf32>,
    %get3A_185 = vector.shape_cast %get3A_184 : vector<1x16xf32> to vector<16xf32>
    %get3A_186 = arith.index_cast %select_n3A_34 : i32 to index
    %get3A_187 = arith.constant 208 : index
    %get3A_188 = tpu.vector_load %arg6[%get3A_186, %get3A_187] {strides = array<i32>} : memref<8x1024xf32, #tpu.memory_space<vmem>>, vector<1x16xf32>,
    %get3A_189 = vector.shape_cast %get3A_188 : vector<1x16xf32> to vector<16xf32>
    %mul3A_190 = arith.mulf %get3A_185, %get3A_189 : vector<16xf32>
    %add3A_191 = arith.addf %add3A_181, %mul3A_190 : vector<16xf32>
    %get3A_192 = arith.index_cast %select_n3A : i32 to index
    %get3A_193 = arith.constant 224 : index
    %get3A_194 = tpu.vector_load %arg5[%get3A_192, %get3A_193] {strides = array<i32>} : memref<8x1024xf32, #tpu.memory_space<vmem>>, vector<1x16xf32>,
    %get3A_195 = vector.shape_cast %get3A_194 : vector<1x16xf32> to vector<16xf32>
    %get3A_196 = arith.index_cast %select_n3A_34 : i32 to index
    %get3A_197 = arith.constant 224 : index
    %get3A_198 = tpu.vector_load %arg6[%get3A_196, %get3A_197] {strides = array<i32>} : memref<8x1024xf32, #tpu.memory_space<vmem>>, vector<1x16xf32>,
    %get3A_199 = vector.shape_cast %get3A_198 : vector<1x16xf32> to vector<16xf32>
    %mul3A_200 = arith.mulf %get3A_195, %get3A_199 : vector<16xf32>
    %add3A_201 = arith.addf %add3A_191, %mul3A_200 : vector<16xf32>
    %get3A_202 = arith.index_cast %select_n3A : i32 to index
    %get3A_203 = arith.constant 240 : index
    %get3A_204 = tpu.vector_load %arg5[%get3A_202, %get3A_203] {strides = array<i32>} : memref<8x1024xf32, #tpu.memory_space<vmem>>, vector<1x16xf32>,
    %get3A_205 = vector.shape_cast %get3A_204 : vector<1x16xf32> to vector<16xf32>
    %get3A_206 = arith.index_cast %select_n3A_34 : i32 to index
    %get3A_207 = arith.constant 240 : index
    %get3A_208 = tpu.vector_load %arg6[%get3A_206, %get3A_207] {strides = array<i32>} : memref<8x1024xf32, #tpu.memory_space<vmem>>, vector<1x16xf32>,
    %get3A_209 = vector.shape_cast %get3A_208 : vector<1x16xf32> to vector<16xf32>
    %mul3A_210 = arith.mulf %get3A_205, %get3A_209 : vector<16xf32>
    %add3A_211 = arith.addf %add3A_201, %mul3A_210 : vector<16xf32>
    %swap3A_212 = arith.constant 48 : index
    %swap3A_213 = tpu.vector_load %arg7[%swap3A_212] {strides = array<i32>} : memref<512xf32, #tpu.memory_space<vmem>>, vector<16xf32>,
    %swap3A_214 = vector.shape_cast %swap3A_213 : vector<16xf32> to vector<16xf32>
    %swap3A_215 = vector.shape_cast %add3A_211 : vector<16xf32> to vector<16xf32>
    tpu.vector_store %arg7[%swap3A_212], %swap3A_215 {strides = array<i32>} : memref<512xf32, #tpu.memory_space<vmem>>, vector<16xf32>,
    %broadcast_in_dim3A_216 = arith.constant 0.000000e+00 : f32
    %broadcast_in_dim3A_217 = vector.broadcast %broadcast_in_dim3A_216 : f32 to vector<16xf32>
    %get3A_218 = arith.index_cast %select_n3A : i32 to index
    %get3A_219 = arith.constant 256 : index
    %get3A_220 = tpu.vector_load %arg5[%get3A_218, %get3A_219] {strides = array<i32>} : memref<8x1024xf32, #tpu.memory_space<vmem>>, vector<1x16xf32>,
    %get3A_221 = vector.shape_cast %get3A_220 : vector<1x16xf32> to vector<16xf32>
    %get3A_222 = arith.index_cast %select_n3A_34 : i32 to index
    %get3A_223 = arith.constant 256 : index
    %get3A_224 = tpu.vector_load %arg6[%get3A_222, %get3A_223] {strides = array<i32>} : memref<8x1024xf32, #tpu.memory_space<vmem>>, vector<1x16xf32>,
    %get3A_225 = vector.shape_cast %get3A_224 : vector<1x16xf32> to vector<16xf32>
    %mul3A_226 = arith.mulf %get3A_221, %get3A_225 : vector<16xf32>
    %add3A_227 = arith.addf %broadcast_in_dim3A_217, %mul3A_226 : vector<16xf32>
    %get3A_228 = arith.index_cast %select_n3A : i32 to index
    %get3A_229 = arith.constant 272 : index
    %get3A_230 = tpu.vector_load %arg5[%get3A_228, %get3A_229] {strides = array<i32>} : memref<8x1024xf32, #tpu.memory_space<vmem>>, vector<1x16xf32>,
    %get3A_231 = vector.shape_cast %get3A_230 : vector<1x16xf32> to vector<16xf32>
    %get3A_232 = arith.index_cast %select_n3A_34 : i32 to index
    %get3A_233 = arith.constant 272 : index
    %get3A_234 = tpu.vector_load %arg6[%get3A_232, %get3A_233] {strides = array<i32>} : memref<8x1024xf32, #tpu.memory_space<vmem>>, vector<1x16xf32>,
    %get3A_235 = vector.shape_cast %get3A_234 : vector<1x16xf32> to vector<16xf32>
    %mul3A_236 = arith.mulf %get3A_231, %get3A_235 : vector<16xf32>
    %add3A_237 = arith.addf %add3A_227, %mul3A_236 : vector<16xf32>
    %get3A_238 = arith.index_cast %select_n3A : i32 to index
    %get3A_239 = arith.constant 288 : index
    %get3A_240 = tpu.vector_load %arg5[%get3A_238, %get3A_239] {strides = array<i32>} : memref<8x1024xf32, #tpu.memory_space<vmem>>, vector<1x16xf32>,
    %get3A_241 = vector.shape_cast %get3A_240 : vector<1x16xf32> to vector<16xf32>
    %get3A_242 = arith.index_cast %select_n3A_34 : i32 to index
    %get3A_243 = arith.constant 288 : index
    %get3A_244 = tpu.vector_load %arg6[%get3A_242, %get3A_243] {strides = array<i32>} : memref<8x1024xf32, #tpu.memory_space<vmem>>, vector<1x16xf32>,
    %get3A_245 = vector.shape_cast %get3A_244 : vector<1x16xf32> to vector<16xf32>
    %mul3A_246 = arith.mulf %get3A_241, %get3A_245 : vector<16xf32>
    %add3A_247 = arith.addf %add3A_237, %mul3A_246 : vector<16xf32>
    %get3A_248 = arith.index_cast %select_n3A : i32 to index
    %get3A_249 = arith.constant 304 : index
    %get3A_250 = tpu.vector_load %arg5[%get3A_248, %get3A_249] {strides = array<i32>} : memref<8x1024xf32, #tpu.memory_space<vmem>>, vector<1x16xf32>,
    %get3A_251 = vector.shape_cast %get3A_250 : vector<1x16xf32> to vector<16xf32>
    %get3A_252 = arith.index_cast %select_n3A_34 : i32 to index
    %get3A_253 = arith.constant 304 : index
    %get3A_254 = tpu.vector_load %arg6[%get3A_252, %get3A_253] {strides = array<i32>} : memref<8x1024xf32, #tpu.memory_space<vmem>>, vector<1x16xf32>,
    %get3A_255 = vector.shape_cast %get3A_254 : vector<1x16xf32> to vector<16xf32>
    %mul3A_256 = arith.mulf %get3A_251, %get3A_255 : vector<16xf32>
    %add3A_257 = arith.addf %add3A_247, %mul3A_256 : vector<16xf32>
    %swap3A_258 = arith.constant 64 : index
    %swap3A_259 = tpu.vector_load %arg7[%swap3A_258] {strides = array<i32>} : memref<512xf32, #tpu.memory_space<vmem>>, vector<16xf32>,
    %swap3A_260 = vector.shape_cast %swap3A_259 : vector<16xf32> to vector<16xf32>
    %swap3A_261 = vector.shape_cast %add3A_257 : vector<16xf32> to vector<16xf32>
    tpu.vector_store %arg7[%swap3A_258], %swap3A_261 {strides = array<i32>} : memref<512xf32, #tpu.memory_space<vmem>>, vector<16xf32>,
    %broadcast_in_dim3A_262 = arith.constant 0.000000e+00 : f32
    %broadcast_in_dim3A_263 = vector.broadcast %broadcast_in_dim3A_262 : f32 to vector<16xf32>
    %get3A_264 = arith.index_cast %select_n3A : i32 to index
    %get3A_265 = arith.constant 320 : index
    %get3A_266 = tpu.vector_load %arg5[%get3A_264, %get3A_265] {strides = array<i32>} : memref<8x1024xf32, #tpu.memory_space<vmem>>, vector<1x16xf32>,
    %get3A_267 = vector.shape_cast %get3A_266 : vector<1x16xf32> to vector<16xf32>
    %get3A_268 = arith.index_cast %select_n3A_34 : i32 to index
    %get3A_269 = arith.constant 320 : index
    %get3A_270 = tpu.vector_load %arg6[%get3A_268, %get3A_269] {strides = array<i32>} : memref<8x1024xf32, #tpu.memory_space<vmem>>, vector<1x16xf32>,
    %get3A_271 = vector.shape_cast %get3A_270 : vector<1x16xf32> to vector<16xf32>
    %mul3A_272 = arith.mulf %get3A_267, %get3A_271 : vector<16xf32>
    %add3A_273 = arith.addf %broadcast_in_dim3A_263, %mul3A_272 : vector<16xf32>
    %get3A_274 = arith.index_cast %select_n3A : i32 to index
    %get3A_275 = arith.constant 336 : index
    %get3A_276 = tpu.vector_load %arg5[%get3A_274, %get3A_275] {strides = array<i32>} : memref<8x1024xf32, #tpu.memory_space<vmem>>, vector<1x16xf32>,
    %get3A_277 = vector.shape_cast %get3A_276 : vector<1x16xf32> to vector<16xf32>
    %get3A_278 = arith.index_cast %select_n3A_34 : i32 to index
    %get3A_279 = arith.constant 336 : index
    %get3A_280 = tpu.vector_load %arg6[%get3A_278, %get3A_279] {strides = array<i32>} : memref<8x1024xf32, #tpu.memory_space<vmem>>, vector<1x16xf32>,
    %get3A_281 = vector.shape_cast %get3A_280 : vector<1x16xf32> to vector<16xf32>
    %mul3A_282 = arith.mulf %get3A_277, %get3A_281 : vector<16xf32>
    %add3A_283 = arith.addf %add3A_273, %mul3A_282 : vector<16xf32>
    %get3A_284 = arith.index_cast %select_n3A : i32 to index
    %get3A_285 = arith.constant 352 : index
    %get3A_286 = tpu.vector_load %arg5[%get3A_284, %get3A_285] {strides = array<i32>} : memref<8x1024xf32, #tpu.memory_space<vmem>>, vector<1x16xf32>,
    %get3A_287 = vector.shape_cast %get3A_286 : vector<1x16xf32> to vector<16xf32>
    %get3A_288 = arith.index_cast %select_n3A_34 : i32 to index
    %get3A_289 = arith.constant 352 : index
    %get3A_290 = tpu.vector_load %arg6[%get3A_288, %get3A_289] {strides = array<i32>} : memref<8x1024xf32, #tpu.memory_space<vmem>>, vector<1x16xf32>,
    %get3A_291 = vector.shape_cast %get3A_290 : vector<1x16xf32> to vector<16xf32>
    %mul3A_292 = arith.mulf %get3A_287, %get3A_291 : vector<16xf32>
    %add3A_293 = arith.addf %add3A_283, %mul3A_292 : vector<16xf32>
    %get3A_294 = arith.index_cast %select_n3A : i32 to index
    %get3A_295 = arith.constant 368 : index
    %get3A_296 = tpu.vector_load %arg5[%get3A_294, %get3A_295] {strides = array<i32>} : memref<8x1024xf32, #tpu.memory_space<vmem>>, vector<1x16xf32>,
    %get3A_297 = vector.shape_cast %get3A_296 : vector<1x16xf32> to vector<16xf32>
    %get3A_298 = arith.index_cast %select_n3A_34 : i32 to index
    %get3A_299 = arith.constant 368 : index
    %get3A_300 = tpu.vector_load %arg6[%get3A_298, %get3A_299] {strides = array<i32>} : memref<8x1024xf32, #tpu.memory_space<vmem>>, vector<1x16xf32>,
    %get3A_301 = vector.shape_cast %get3A_300 : vector<1x16xf32> to vector<16xf32>
    %mul3A_302 = arith.mulf %get3A_297, %get3A_301 : vector<16xf32>
    %add3A_303 = arith.addf %add3A_293, %mul3A_302 : vector<16xf32>
    %swap3A_304 = arith.constant 80 : index
    %swap3A_305 = tpu.vector_load %arg7[%swap3A_304] {strides = array<i32>} : memref<512xf32, #tpu.memory_space<vmem>>, vector<16xf32>,
    %swap3A_306 = vector.shape_cast %swap3A_305 : vector<16xf32> to vector<16xf32>
    %swap3A_307 = vector.shape_cast %add3A_303 : vector<16xf32> to vector<16xf32>
    tpu.vector_store %arg7[%swap3A_304], %swap3A_307 {strides = array<i32>} : memref<512xf32, #tpu.memory_space<vmem>>, vector<16xf32>,
    %broadcast_in_dim3A_308 = arith.constant 0.000000e+00 : f32
    %broadcast_in_dim3A_309 = vector.broadcast %broadcast_in_dim3A_308 : f32 to vector<16xf32>
    %get3A_310 = arith.index_cast %select_n3A : i32 to index
    %get3A_311 = arith.constant 384 : index
    %get3A_312 = tpu.vector_load %arg5[%get3A_310, %get3A_311] {strides = array<i32>} : memref<8x1024xf32, #tpu.memory_space<vmem>>, vector<1x16xf32>,
    %get3A_313 = vector.shape_cast %get3A_312 : vector<1x16xf32> to vector<16xf32>
    %get3A_314 = arith.index_cast %select_n3A_34 : i32 to index
    %get3A_315 = arith.constant 384 : index
    %get3A_316 = tpu.vector_load %arg6[%get3A_314, %get3A_315] {strides = array<i32>} : memref<8x1024xf32, #tpu.memory_space<vmem>>, vector<1x16xf32>,
    %get3A_317 = vector.shape_cast %get3A_316 : vector<1x16xf32> to vector<16xf32>
    %mul3A_318 = arith.mulf %get3A_313, %get3A_317 : vector<16xf32>
    %add3A_319 = arith.addf %broadcast_in_dim3A_309, %mul3A_318 : vector<16xf32>
    %get3A_320 = arith.index_cast %select_n3A : i32 to index
    %get3A_321 = arith.constant 400 : index
    %get3A_322 = tpu.vector_load %arg5[%get3A_320, %get3A_321] {strides = array<i32>} : memref<8x1024xf32, #tpu.memory_space<vmem>>, vector<1x16xf32>,
    %get3A_323 = vector.shape_cast %get3A_322 : vector<1x16xf32> to vector<16xf32>
    %get3A_324 = arith.index_cast %select_n3A_34 : i32 to index
    %get3A_325 = arith.constant 400 : index
    %get3A_326 = tpu.vector_load %arg6[%get3A_324, %get3A_325] {strides = array<i32>} : memref<8x1024xf32, #tpu.memory_space<vmem>>, vector<1x16xf32>,
    %get3A_327 = vector.shape_cast %get3A_326 : vector<1x16xf32> to vector<16xf32>
    %mul3A_328 = arith.mulf %get3A_323, %get3A_327 : vector<16xf32>
    %add3A_329 = arith.addf %add3A_319, %mul3A_328 : vector<16xf32>
    %get3A_330 = arith.index_cast %select_n3A : i32 to index
    %get3A_331 = arith.constant 416 : index
    %get3A_332 = tpu.vector_load %arg5[%get3A_330, %get3A_331] {strides = array<i32>} : memref<8x1024xf32, #tpu.memory_space<vmem>>, vector<1x16xf32>,
    %get3A_333 = vector.shape_cast %get3A_332 : vector<1x16xf32> to vector<16xf32>
    %get3A_334 = arith.index_cast %select_n3A_34 : i32 to index
    %get3A_335 = arith.constant 416 : index
    %get3A_336 = tpu.vector_load %arg6[%get3A_334, %get3A_335] {strides = array<i32>} : memref<8x1024xf32, #tpu.memory_space<vmem>>, vector<1x16xf32>,
    %get3A_337 = vector.shape_cast %get3A_336 : vector<1x16xf32> to vector<16xf32>
    %mul3A_338 = arith.mulf %get3A_333, %get3A_337 : vector<16xf32>
    %add3A_339 = arith.addf %add3A_329, %mul3A_338 : vector<16xf32>
    %get3A_340 = arith.index_cast %select_n3A : i32 to index
    %get3A_341 = arith.constant 432 : index
    %get3A_342 = tpu.vector_load %arg5[%get3A_340, %get3A_341] {strides = array<i32>} : memref<8x1024xf32, #tpu.memory_space<vmem>>, vector<1x16xf32>,
    %get3A_343 = vector.shape_cast %get3A_342 : vector<1x16xf32> to vector<16xf32>
    %get3A_344 = arith.index_cast %select_n3A_34 : i32 to index
    %get3A_345 = arith.constant 432 : index
    %get3A_346 = tpu.vector_load %arg6[%get3A_344, %get3A_345] {strides = array<i32>} : memref<8x1024xf32, #tpu.memory_space<vmem>>, vector<1x16xf32>,
    %get3A_347 = vector.shape_cast %get3A_346 : vector<1x16xf32> to vector<16xf32>
    %mul3A_348 = arith.mulf %get3A_343, %get3A_347 : vector<16xf32>
    %add3A_349 = arith.addf %add3A_339, %mul3A_348 : vector<16xf32>
    %swap3A_350 = arith.constant 96 : index
    %swap3A_351 = tpu.vector_load %arg7[%swap3A_350] {strides = array<i32>} : memref<512xf32, #tpu.memory_space<vmem>>, vector<16xf32>,
    %swap3A_352 = vector.shape_cast %swap3A_351 : vector<16xf32> to vector<16xf32>
    %swap3A_353 = vector.shape_cast %add3A_349 : vector<16xf32> to vector<16xf32>
    tpu.vector_store %arg7[%swap3A_350], %swap3A_353 {strides = array<i32>} : memref<512xf32, #tpu.memory_space<vmem>>, vector<16xf32>,
    %broadcast_in_dim3A_354 = arith.constant 0.000000e+00 : f32
    %broadcast_in_dim3A_355 = vector.broadcast %broadcast_in_dim3A_354 : f32 to vector<16xf32>
    %get3A_356 = arith.index_cast %select_n3A : i32 to index
    %get3A_357 = arith.constant 448 : index
    %get3A_358 = tpu.vector_load %arg5[%get3A_356, %get3A_357] {strides = array<i32>} : memref<8x1024xf32, #tpu.memory_space<vmem>>, vector<1x16xf32>,
    %get3A_359 = vector.shape_cast %get3A_358 : vector<1x16xf32> to vector<16xf32>
    %get3A_360 = arith.index_cast %select_n3A_34 : i32 to index
    %get3A_361 = arith.constant 448 : index
    %get3A_362 = tpu.vector_load %arg6[%get3A_360, %get3A_361] {strides = array<i32>} : memref<8x1024xf32, #tpu.memory_space<vmem>>, vector<1x16xf32>,
    %get3A_363 = vector.shape_cast %get3A_362 : vector<1x16xf32> to vector<16xf32>
    %mul3A_364 = arith.mulf %get3A_359, %get3A_363 : vector<16xf32>
    %add3A_365 = arith.addf %broadcast_in_dim3A_355, %mul3A_364 : vector<16xf32>
    %get3A_366 = arith.index_cast %select_n3A : i32 to index
    %get3A_367 = arith.constant 464 : index
    %get3A_368 = tpu.vector_load %arg5[%get3A_366, %get3A_367] {strides = array<i32>} : memref<8x1024xf32, #tpu.memory_space<vmem>>, vector<1x16xf32>,
    %get3A_369 = vector.shape_cast %get3A_368 : vector<1x16xf32> to vector<16xf32>
    %get3A_370 = arith.index_cast %select_n3A_34 : i32 to index
    %get3A_371 = arith.constant 464 : index
    %get3A_372 = tpu.vector_load %arg6[%get3A_370, %get3A_371] {strides = array<i32>} : memref<8x1024xf32, #tpu.memory_space<vmem>>, vector<1x16xf32>,
    %get3A_373 = vector.shape_cast %get3A_372 : vector<1x16xf32> to vector<16xf32>
    %mul3A_374 = arith.mulf %get3A_369, %get3A_373 : vector<16xf32>
    %add3A_375 = arith.addf %add3A_365, %mul3A_374 : vector<16xf32>
    %get3A_376 = arith.index_cast %select_n3A : i32 to index
    %get3A_377 = arith.constant 480 : index
    %get3A_378 = tpu.vector_load %arg5[%get3A_376, %get3A_377] {strides = array<i32>} : memref<8x1024xf32, #tpu.memory_space<vmem>>, vector<1x16xf32>,
    %get3A_379 = vector.shape_cast %get3A_378 : vector<1x16xf32> to vector<16xf32>
    %get3A_380 = arith.index_cast %select_n3A_34 : i32 to index
    %get3A_381 = arith.constant 480 : index
    %get3A_382 = tpu.vector_load %arg6[%get3A_380, %get3A_381] {strides = array<i32>} : memref<8x1024xf32, #tpu.memory_space<vmem>>, vector<1x16xf32>,
    %get3A_383 = vector.shape_cast %get3A_382 : vector<1x16xf32> to vector<16xf32>
    %mul3A_384 = arith.mulf %get3A_379, %get3A_383 : vector<16xf32>
    %add3A_385 = arith.addf %add3A_375, %mul3A_384 : vector<16xf32>
    %get3A_386 = arith.index_cast %select_n3A : i32 to index
    %get3A_387 = arith.constant 496 : index
    %get3A_388 = tpu.vector_load %arg5[%get3A_386, %get3A_387] {strides = array<i32>} : memref<8x1024xf32, #tpu.memory_space<vmem>>, vector<1x16xf32>,
    %get3A_389 = vector.shape_cast %get3A_388 : vector<1x16xf32> to vector<16xf32>
    %get3A_390 = arith.index_cast %select_n3A_34 : i32 to index
    %get3A_391 = arith.constant 496 : index
    %get3A_392 = tpu.vector_load %arg6[%get3A_390, %get3A_391] {strides = array<i32>} : memref<8x1024xf32, #tpu.memory_space<vmem>>, vector<1x16xf32>,
    %get3A_393 = vector.shape_cast %get3A_392 : vector<1x16xf32> to vector<16xf32>
    %mul3A_394 = arith.mulf %get3A_389, %get3A_393 : vector<16xf32>
    %add3A_395 = arith.addf %add3A_385, %mul3A_394 : vector<16xf32>
    %swap3A_396 = arith.constant 112 : index
    %swap3A_397 = tpu.vector_load %arg7[%swap3A_396] {strides = array<i32>} : memref<512xf32, #tpu.memory_space<vmem>>, vector<16xf32>,
    %swap3A_398 = vector.shape_cast %swap3A_397 : vector<16xf32> to vector<16xf32>
    %swap3A_399 = vector.shape_cast %add3A_395 : vector<16xf32> to vector<16xf32>
    tpu.vector_store %arg7[%swap3A_396], %swap3A_399 {strides = array<i32>} : memref<512xf32, #tpu.memory_space<vmem>>, vector<16xf32>,
    %broadcast_in_dim3A_400 = arith.constant 0.000000e+00 : f32
    %broadcast_in_dim3A_401 = vector.broadcast %broadcast_in_dim3A_400 : f32 to vector<16xf32>
    %get3A_402 = arith.index_cast %select_n3A : i32 to index
    %get3A_403 = arith.constant 512 : index
    %get3A_404 = tpu.vector_load %arg5[%get3A_402, %get3A_403] {strides = array<i32>} : memref<8x1024xf32, #tpu.memory_space<vmem>>, vector<1x16xf32>,
    %get3A_405 = vector.shape_cast %get3A_404 : vector<1x16xf32> to vector<16xf32>
    %get3A_406 = arith.index_cast %select_n3A_34 : i32 to index
    %get3A_407 = arith.constant 512 : index
    %get3A_408 = tpu.vector_load %arg6[%get3A_406, %get3A_407] {strides = array<i32>} : memref<8x1024xf32, #tpu.memory_space<vmem>>, vector<1x16xf32>,
    %get3A_409 = vector.shape_cast %get3A_408 : vector<1x16xf32> to vector<16xf32>
    %mul3A_410 = arith.mulf %get3A_405, %get3A_409 : vector<16xf32>
    %add3A_411 = arith.addf %broadcast_in_dim3A_401, %mul3A_410 : vector<16xf32>
    %get3A_412 = arith.index_cast %select_n3A : i32 to index
    %get3A_413 = arith.constant 528 : index
    %get3A_414 = tpu.vector_load %arg5[%get3A_412, %get3A_413] {strides = array<i32>} : memref<8x1024xf32, #tpu.memory_space<vmem>>, vector<1x16xf32>,
    %get3A_415 = vector.shape_cast %get3A_414 : vector<1x16xf32> to vector<16xf32>
    %get3A_416 = arith.index_cast %select_n3A_34 : i32 to index
    %get3A_417 = arith.constant 528 : index
    %get3A_418 = tpu.vector_load %arg6[%get3A_416, %get3A_417] {strides = array<i32>} : memref<8x1024xf32, #tpu.memory_space<vmem>>, vector<1x16xf32>,
    %get3A_419 = vector.shape_cast %get3A_418 : vector<1x16xf32> to vector<16xf32>
    %mul3A_420 = arith.mulf %get3A_415, %get3A_419 : vector<16xf32>
    %add3A_421 = arith.addf %add3A_411, %mul3A_420 : vector<16xf32>
    %get3A_422 = arith.index_cast %select_n3A : i32 to index
    %get3A_423 = arith.constant 544 : index
    %get3A_424 = tpu.vector_load %arg5[%get3A_422, %get3A_423] {strides = array<i32>} : memref<8x1024xf32, #tpu.memory_space<vmem>>, vector<1x16xf32>,
    %get3A_425 = vector.shape_cast %get3A_424 : vector<1x16xf32> to vector<16xf32>
    %get3A_426 = arith.index_cast %select_n3A_34 : i32 to index
    %get3A_427 = arith.constant 544 : index
    %get3A_428 = tpu.vector_load %arg6[%get3A_426, %get3A_427] {strides = array<i32>} : memref<8x1024xf32, #tpu.memory_space<vmem>>, vector<1x16xf32>,
    %get3A_429 = vector.shape_cast %get3A_428 : vector<1x16xf32> to vector<16xf32>
    %mul3A_430 = arith.mulf %get3A_425, %get3A_429 : vector<16xf32>
    %add3A_431 = arith.addf %add3A_421, %mul3A_430 : vector<16xf32>
    %get3A_432 = arith.index_cast %select_n3A : i32 to index
    %get3A_433 = arith.constant 560 : index
    %get3A_434 = tpu.vector_load %arg5[%get3A_432, %get3A_433] {strides = array<i32>} : memref<8x1024xf32, #tpu.memory_space<vmem>>, vector<1x16xf32>,
    %get3A_435 = vector.shape_cast %get3A_434 : vector<1x16xf32> to vector<16xf32>
    %get3A_436 = arith.index_cast %select_n3A_34 : i32 to index
    %get3A_437 = arith.constant 560 : index
    %get3A_438 = tpu.vector_load %arg6[%get3A_436, %get3A_437] {strides = array<i32>} : memref<8x1024xf32, #tpu.memory_space<vmem>>, vector<1x16xf32>,
    %get3A_439 = vector.shape_cast %get3A_438 : vector<1x16xf32> to vector<16xf32>
    %mul3A_440 = arith.mulf %get3A_435, %get3A_439 : vector<16xf32>
    %add3A_441 = arith.addf %add3A_431, %mul3A_440 : vector<16xf32>
    %swap3A_442 = arith.constant 128 : index
    %swap3A_443 = tpu.vector_load %arg7[%swap3A_442] {strides = array<i32>} : memref<512xf32, #tpu.memory_space<vmem>>, vector<16xf32>,
    %swap3A_444 = vector.shape_cast %swap3A_443 : vector<16xf32> to vector<16xf32>
    %swap3A_445 = vector.shape_cast %add3A_441 : vector<16xf32> to vector<16xf32>
    tpu.vector_store %arg7[%swap3A_442], %swap3A_445 {strides = array<i32>} : memref<512xf32, #tpu.memory_space<vmem>>, vector<16xf32>,
    %broadcast_in_dim3A_446 = arith.constant 0.000000e+00 : f32
    %broadcast_in_dim3A_447 = vector.broadcast %broadcast_in_dim3A_446 : f32 to vector<16xf32>
    %get3A_448 = arith.index_cast %select_n3A : i32 to index
    %get3A_449 = arith.constant 576 : index
    %get3A_450 = tpu.vector_load %arg5[%get3A_448, %get3A_449] {strides = array<i32>} : memref<8x1024xf32, #tpu.memory_space<vmem>>, vector<1x16xf32>,
    %get3A_451 = vector.shape_cast %get3A_450 : vector<1x16xf32> to vector<16xf32>
    %get3A_452 = arith.index_cast %select_n3A_34 : i32 to index
    %get3A_453 = arith.constant 576 : index
    %get3A_454 = tpu.vector_load %arg6[%get3A_452, %get3A_453] {strides = array<i32>} : memref<8x1024xf32, #tpu.memory_space<vmem>>, vector<1x16xf32>,
    %get3A_455 = vector.shape_cast %get3A_454 : vector<1x16xf32> to vector<16xf32>
    %mul3A_456 = arith.mulf %get3A_451, %get3A_455 : vector<16xf32>
    %add3A_457 = arith.addf %broadcast_in_dim3A_447, %mul3A_456 : vector<16xf32>
    %get3A_458 = arith.index_cast %select_n3A : i32 to index
    %get3A_459 = arith.constant 592 : index
    %get3A_460 = tpu.vector_load %arg5[%get3A_458, %get3A_459] {strides = array<i32>} : memref<8x1024xf32, #tpu.memory_space<vmem>>, vector<1x16xf32>,
    %get3A_461 = vector.shape_cast %get3A_460 : vector<1x16xf32> to vector<16xf32>
    %get3A_462 = arith.index_cast %select_n3A_34 : i32 to index
    %get3A_463 = arith.constant 592 : index
    %get3A_464 = tpu.vector_load %arg6[%get3A_462, %get3A_463] {strides = array<i32>} : memref<8x1024xf32, #tpu.memory_space<vmem>>, vector<1x16xf32>,
    %get3A_465 = vector.shape_cast %get3A_464 : vector<1x16xf32> to vector<16xf32>
    %mul3A_466 = arith.mulf %get3A_461, %get3A_465 : vector<16xf32>
    %add3A_467 = arith.addf %add3A_457, %mul3A_466 : vector<16xf32>
    %get3A_468 = arith.index_cast %select_n3A : i32 to index
    %get3A_469 = arith.constant 608 : index
    %get3A_470 = tpu.vector_load %arg5[%get3A_468, %get3A_469] {strides = array<i32>} : memref<8x1024xf32, #tpu.memory_space<vmem>>, vector<1x16xf32>,
    %get3A_471 = vector.shape_cast %get3A_470 : vector<1x16xf32> to vector<16xf32>
    %get3A_472 = arith.index_cast %select_n3A_34 : i32 to index
    %get3A_473 = arith.constant 608 : index
    %get3A_474 = tpu.vector_load %arg6[%get3A_472, %get3A_473] {strides = array<i32>} : memref<8x1024xf32, #tpu.memory_space<vmem>>, vector<1x16xf32>,
    %get3A_475 = vector.shape_cast %get3A_474 : vector<1x16xf32> to vector<16xf32>
    %mul3A_476 = arith.mulf %get3A_471, %get3A_475 : vector<16xf32>
    %add3A_477 = arith.addf %add3A_467, %mul3A_476 : vector<16xf32>
    %get3A_478 = arith.index_cast %select_n3A : i32 to index
    %get3A_479 = arith.constant 624 : index
    %get3A_480 = tpu.vector_load %arg5[%get3A_478, %get3A_479] {strides = array<i32>} : memref<8x1024xf32, #tpu.memory_space<vmem>>, vector<1x16xf32>,
    %get3A_481 = vector.shape_cast %get3A_480 : vector<1x16xf32> to vector<16xf32>
    %get3A_482 = arith.index_cast %select_n3A_34 : i32 to index
    %get3A_483 = arith.constant 624 : index
    %get3A_484 = tpu.vector_load %arg6[%get3A_482, %get3A_483] {strides = array<i32>} : memref<8x1024xf32, #tpu.memory_space<vmem>>, vector<1x16xf32>,
    %get3A_485 = vector.shape_cast %get3A_484 : vector<1x16xf32> to vector<16xf32>
    %mul3A_486 = arith.mulf %get3A_481, %get3A_485 : vector<16xf32>
    %add3A_487 = arith.addf %add3A_477, %mul3A_486 : vector<16xf32>
    %swap3A_488 = arith.constant 144 : index
    %swap3A_489 = tpu.vector_load %arg7[%swap3A_488] {strides = array<i32>} : memref<512xf32, #tpu.memory_space<vmem>>, vector<16xf32>,
    %swap3A_490 = vector.shape_cast %swap3A_489 : vector<16xf32> to vector<16xf32>
    %swap3A_491 = vector.shape_cast %add3A_487 : vector<16xf32> to vector<16xf32>
    tpu.vector_store %arg7[%swap3A_488], %swap3A_491 {strides = array<i32>} : memref<512xf32, #tpu.memory_space<vmem>>, vector<16xf32>,
    %broadcast_in_dim3A_492 = arith.constant 0.000000e+00 : f32
    %broadcast_in_dim3A_493 = vector.broadcast %broadcast_in_dim3A_492 : f32 to vector<16xf32>
    %get3A_494 = arith.index_cast %select_n3A : i32 to index
    %get3A_495 = arith.constant 640 : index
    %get3A_496 = tpu.vector_load %arg5[%get3A_494, %get3A_495] {strides = array<i32>} : memref<8x1024xf32, #tpu.memory_space<vmem>>, vector<1x16xf32>,
    %get3A_497 = vector.shape_cast %get3A_496 : vector<1x16xf32> to vector<16xf32>
    %get3A_498 = arith.index_cast %select_n3A_34 : i32 to index
    %get3A_499 = arith.constant 640 : index
    %get3A_500 = tpu.vector_load %arg6[%get3A_498, %get3A_499] {strides = array<i32>} : memref<8x1024xf32, #tpu.memory_space<vmem>>, vector<1x16xf32>,
    %get3A_501 = vector.shape_cast %get3A_500 : vector<1x16xf32> to vector<16xf32>
    %mul3A_502 = arith.mulf %get3A_497, %get3A_501 : vector<16xf32>
    %add3A_503 = arith.addf %broadcast_in_dim3A_493, %mul3A_502 : vector<16xf32>
    %get3A_504 = arith.index_cast %select_n3A : i32 to index
    %get3A_505 = arith.constant 656 : index
    %get3A_506 = tpu.vector_load %arg5[%get3A_504, %get3A_505] {strides = array<i32>} : memref<8x1024xf32, #tpu.memory_space<vmem>>, vector<1x16xf32>,
    %get3A_507 = vector.shape_cast %get3A_506 : vector<1x16xf32> to vector<16xf32>
    %get3A_508 = arith.index_cast %select_n3A_34 : i32 to index
    %get3A_509 = arith.constant 656 : index
    %get3A_510 = tpu.vector_load %arg6[%get3A_508, %get3A_509] {strides = array<i32>} : memref<8x1024xf32, #tpu.memory_space<vmem>>, vector<1x16xf32>,
    %get3A_511 = vector.shape_cast %get3A_510 : vector<1x16xf32> to vector<16xf32>
    %mul3A_512 = arith.mulf %get3A_507, %get3A_511 : vector<16xf32>
    %add3A_513 = arith.addf %add3A_503, %mul3A_512 : vector<16xf32>
    %get3A_514 = arith.index_cast %select_n3A : i32 to index
    %get3A_515 = arith.constant 672 : index
    %get3A_516 = tpu.vector_load %arg5[%get3A_514, %get3A_515] {strides = array<i32>} : memref<8x1024xf32, #tpu.memory_space<vmem>>, vector<1x16xf32>,
    %get3A_517 = vector.shape_cast %get3A_516 : vector<1x16xf32> to vector<16xf32>
    %get3A_518 = arith.index_cast %select_n3A_34 : i32 to index
    %get3A_519 = arith.constant 672 : index
    %get3A_520 = tpu.vector_load %arg6[%get3A_518, %get3A_519] {strides = array<i32>} : memref<8x1024xf32, #tpu.memory_space<vmem>>, vector<1x16xf32>,
    %get3A_521 = vector.shape_cast %get3A_520 : vector<1x16xf32> to vector<16xf32>
    %mul3A_522 = arith.mulf %get3A_517, %get3A_521 : vector<16xf32>
    %add3A_523 = arith.addf %add3A_513, %mul3A_522 : vector<16xf32>
    %get3A_524 = arith.index_cast %select_n3A : i32 to index
    %get3A_525 = arith.constant 688 : index
    %get3A_526 = tpu.vector_load %arg5[%get3A_524, %get3A_525] {strides = array<i32>} : memref<8x1024xf32, #tpu.memory_space<vmem>>, vector<1x16xf32>,
    %get3A_527 = vector.shape_cast %get3A_526 : vector<1x16xf32> to vector<16xf32>
    %get3A_528 = arith.index_cast %select_n3A_34 : i32 to index
    %get3A_529 = arith.constant 688 : index
    %get3A_530 = tpu.vector_load %arg6[%get3A_528, %get3A_529] {strides = array<i32>} : memref<8x1024xf32, #tpu.memory_space<vmem>>, vector<1x16xf32>,
    %get3A_531 = vector.shape_cast %get3A_530 : vector<1x16xf32> to vector<16xf32>
    %mul3A_532 = arith.mulf %get3A_527, %get3A_531 : vector<16xf32>
    %add3A_533 = arith.addf %add3A_523, %mul3A_532 : vector<16xf32>
    %swap3A_534 = arith.constant 160 : index
    %swap3A_535 = tpu.vector_load %arg7[%swap3A_534] {strides = array<i32>} : memref<512xf32, #tpu.memory_space<vmem>>, vector<16xf32>,
    %swap3A_536 = vector.shape_cast %swap3A_535 : vector<16xf32> to vector<16xf32>
    %swap3A_537 = vector.shape_cast %add3A_533 : vector<16xf32> to vector<16xf32>
    tpu.vector_store %arg7[%swap3A_534], %swap3A_537 {strides = array<i32>} : memref<512xf32, #tpu.memory_space<vmem>>, vector<16xf32>,
    %broadcast_in_dim3A_538 = arith.constant 0.000000e+00 : f32
    %broadcast_in_dim3A_539 = vector.broadcast %broadcast_in_dim3A_538 : f32 to vector<16xf32>
    %get3A_540 = arith.index_cast %select_n3A : i32 to index
    %get3A_541 = arith.constant 704 : index
    %get3A_542 = tpu.vector_load %arg5[%get3A_540, %get3A_541] {strides = array<i32>} : memref<8x1024xf32, #tpu.memory_space<vmem>>, vector<1x16xf32>,
    %get3A_543 = vector.shape_cast %get3A_542 : vector<1x16xf32> to vector<16xf32>
    %get3A_544 = arith.index_cast %select_n3A_34 : i32 to index
    %get3A_545 = arith.constant 704 : index
    %get3A_546 = tpu.vector_load %arg6[%get3A_544, %get3A_545] {strides = array<i32>} : memref<8x1024xf32, #tpu.memory_space<vmem>>, vector<1x16xf32>,
    %get3A_547 = vector.shape_cast %get3A_546 : vector<1x16xf32> to vector<16xf32>
    %mul3A_548 = arith.mulf %get3A_543, %get3A_547 : vector<16xf32>
    %add3A_549 = arith.addf %broadcast_in_dim3A_539, %mul3A_548 : vector<16xf32>
    %get3A_550 = arith.index_cast %select_n3A : i32 to index
    %get3A_551 = arith.constant 720 : index
    %get3A_552 = tpu.vector_load %arg5[%get3A_550, %get3A_551] {strides = array<i32>} : memref<8x1024xf32, #tpu.memory_space<vmem>>, vector<1x16xf32>,
    %get3A_553 = vector.shape_cast %get3A_552 : vector<1x16xf32> to vector<16xf32>
    %get3A_554 = arith.index_cast %select_n3A_34 : i32 to index
    %get3A_555 = arith.constant 720 : index
    %get3A_556 = tpu.vector_load %arg6[%get3A_554, %get3A_555] {strides = array<i32>} : memref<8x1024xf32, #tpu.memory_space<vmem>>, vector<1x16xf32>,
    %get3A_557 = vector.shape_cast %get3A_556 : vector<1x16xf32> to vector<16xf32>
    %mul3A_558 = arith.mulf %get3A_553, %get3A_557 : vector<16xf32>
    %add3A_559 = arith.addf %add3A_549, %mul3A_558 : vector<16xf32>
    %get3A_560 = arith.index_cast %select_n3A : i32 to index
    %get3A_561 = arith.constant 736 : index
    %get3A_562 = tpu.vector_load %arg5[%get3A_560, %get3A_561] {strides = array<i32>} : memref<8x1024xf32, #tpu.memory_space<vmem>>, vector<1x16xf32>,
    %get3A_563 = vector.shape_cast %get3A_562 : vector<1x16xf32> to vector<16xf32>
    %get3A_564 = arith.index_cast %select_n3A_34 : i32 to index
    %get3A_565 = arith.constant 736 : index
    %get3A_566 = tpu.vector_load %arg6[%get3A_564, %get3A_565] {strides = array<i32>} : memref<8x1024xf32, #tpu.memory_space<vmem>>, vector<1x16xf32>,
    %get3A_567 = vector.shape_cast %get3A_566 : vector<1x16xf32> to vector<16xf32>
    %mul3A_568 = arith.mulf %get3A_563, %get3A_567 : vector<16xf32>
    %add3A_569 = arith.addf %add3A_559, %mul3A_568 : vector<16xf32>
    %get3A_570 = arith.index_cast %select_n3A : i32 to index
    %get3A_571 = arith.constant 752 : index
    %get3A_572 = tpu.vector_load %arg5[%get3A_570, %get3A_571] {strides = array<i32>} : memref<8x1024xf32, #tpu.memory_space<vmem>>, vector<1x16xf32>,
    %get3A_573 = vector.shape_cast %get3A_572 : vector<1x16xf32> to vector<16xf32>
    %get3A_574 = arith.index_cast %select_n3A_34 : i32 to index
    %get3A_575 = arith.constant 752 : index
    %get3A_576 = tpu.vector_load %arg6[%get3A_574, %get3A_575] {strides = array<i32>} : memref<8x1024xf32, #tpu.memory_space<vmem>>, vector<1x16xf32>,
    %get3A_577 = vector.shape_cast %get3A_576 : vector<1x16xf32> to vector<16xf32>
    %mul3A_578 = arith.mulf %get3A_573, %get3A_577 : vector<16xf32>
    %add3A_579 = arith.addf %add3A_569, %mul3A_578 : vector<16xf32>
    %swap3A_580 = arith.constant 176 : index
    %swap3A_581 = tpu.vector_load %arg7[%swap3A_580] {strides = array<i32>} : memref<512xf32, #tpu.memory_space<vmem>>, vector<16xf32>,
    %swap3A_582 = vector.shape_cast %swap3A_581 : vector<16xf32> to vector<16xf32>
    %swap3A_583 = vector.shape_cast %add3A_579 : vector<16xf32> to vector<16xf32>
    tpu.vector_store %arg7[%swap3A_580], %swap3A_583 {strides = array<i32>} : memref<512xf32, #tpu.memory_space<vmem>>, vector<16xf32>,
    %broadcast_in_dim3A_584 = arith.constant 0.000000e+00 : f32
    %broadcast_in_dim3A_585 = vector.broadcast %broadcast_in_dim3A_584 : f32 to vector<16xf32>
    %get3A_586 = arith.index_cast %select_n3A : i32 to index
    %get3A_587 = arith.constant 768 : index
    %get3A_588 = tpu.vector_load %arg5[%get3A_586, %get3A_587] {strides = array<i32>} : memref<8x1024xf32, #tpu.memory_space<vmem>>, vector<1x16xf32>,
    %get3A_589 = vector.shape_cast %get3A_588 : vector<1x16xf32> to vector<16xf32>
    %get3A_590 = arith.index_cast %select_n3A_34 : i32 to index
    %get3A_591 = arith.constant 768 : index
    %get3A_592 = tpu.vector_load %arg6[%get3A_590, %get3A_591] {strides = array<i32>} : memref<8x1024xf32, #tpu.memory_space<vmem>>, vector<1x16xf32>,
    %get3A_593 = vector.shape_cast %get3A_592 : vector<1x16xf32> to vector<16xf32>
    %mul3A_594 = arith.mulf %get3A_589, %get3A_593 : vector<16xf32>
    %add3A_595 = arith.addf %broadcast_in_dim3A_585, %mul3A_594 : vector<16xf32>
    %get3A_596 = arith.index_cast %select_n3A : i32 to index
    %get3A_597 = arith.constant 784 : index
    %get3A_598 = tpu.vector_load %arg5[%get3A_596, %get3A_597] {strides = array<i32>} : memref<8x1024xf32, #tpu.memory_space<vmem>>, vector<1x16xf32>,
    %get3A_599 = vector.shape_cast %get3A_598 : vector<1x16xf32> to vector<16xf32>
    %get3A_600 = arith.index_cast %select_n3A_34 : i32 to index
    %get3A_601 = arith.constant 784 : index
    %get3A_602 = tpu.vector_load %arg6[%get3A_600, %get3A_601] {strides = array<i32>} : memref<8x1024xf32, #tpu.memory_space<vmem>>, vector<1x16xf32>,
    %get3A_603 = vector.shape_cast %get3A_602 : vector<1x16xf32> to vector<16xf32>
    %mul3A_604 = arith.mulf %get3A_599, %get3A_603 : vector<16xf32>
    %add3A_605 = arith.addf %add3A_595, %mul3A_604 : vector<16xf32>
    %get3A_606 = arith.index_cast %select_n3A : i32 to index
    %get3A_607 = arith.constant 800 : index
    %get3A_608 = tpu.vector_load %arg5[%get3A_606, %get3A_607] {strides = array<i32>} : memref<8x1024xf32, #tpu.memory_space<vmem>>, vector<1x16xf32>,
    %get3A_609 = vector.shape_cast %get3A_608 : vector<1x16xf32> to vector<16xf32>
    %get3A_610 = arith.index_cast %select_n3A_34 : i32 to index
    %get3A_611 = arith.constant 800 : index
    %get3A_612 = tpu.vector_load %arg6[%get3A_610, %get3A_611] {strides = array<i32>} : memref<8x1024xf32, #tpu.memory_space<vmem>>, vector<1x16xf32>,
    %get3A_613 = vector.shape_cast %get3A_612 : vector<1x16xf32> to vector<16xf32>
    %mul3A_614 = arith.mulf %get3A_609, %get3A_613 : vector<16xf32>
    %add3A_615 = arith.addf %add3A_605, %mul3A_614 : vector<16xf32>
    %get3A_616 = arith.index_cast %select_n3A : i32 to index
    %get3A_617 = arith.constant 816 : index
    %get3A_618 = tpu.vector_load %arg5[%get3A_616, %get3A_617] {strides = array<i32>} : memref<8x1024xf32, #tpu.memory_space<vmem>>, vector<1x16xf32>,
    %get3A_619 = vector.shape_cast %get3A_618 : vector<1x16xf32> to vector<16xf32>
    %get3A_620 = arith.index_cast %select_n3A_34 : i32 to index
    %get3A_621 = arith.constant 816 : index
    %get3A_622 = tpu.vector_load %arg6[%get3A_620, %get3A_621] {strides = array<i32>} : memref<8x1024xf32, #tpu.memory_space<vmem>>, vector<1x16xf32>,
    %get3A_623 = vector.shape_cast %get3A_622 : vector<1x16xf32> to vector<16xf32>
    %mul3A_624 = arith.mulf %get3A_619, %get3A_623 : vector<16xf32>
    %add3A_625 = arith.addf %add3A_615, %mul3A_624 : vector<16xf32>
    %swap3A_626 = arith.constant 192 : index
    %swap3A_627 = tpu.vector_load %arg7[%swap3A_626] {strides = array<i32>} : memref<512xf32, #tpu.memory_space<vmem>>, vector<16xf32>,
    %swap3A_628 = vector.shape_cast %swap3A_627 : vector<16xf32> to vector<16xf32>
    %swap3A_629 = vector.shape_cast %add3A_625 : vector<16xf32> to vector<16xf32>
    tpu.vector_store %arg7[%swap3A_626], %swap3A_629 {strides = array<i32>} : memref<512xf32, #tpu.memory_space<vmem>>, vector<16xf32>,
    %broadcast_in_dim3A_630 = arith.constant 0.000000e+00 : f32
    %broadcast_in_dim3A_631 = vector.broadcast %broadcast_in_dim3A_630 : f32 to vector<16xf32>
    %get3A_632 = arith.index_cast %select_n3A : i32 to index
    %get3A_633 = arith.constant 832 : index
    %get3A_634 = tpu.vector_load %arg5[%get3A_632, %get3A_633] {strides = array<i32>} : memref<8x1024xf32, #tpu.memory_space<vmem>>, vector<1x16xf32>,
    %get3A_635 = vector.shape_cast %get3A_634 : vector<1x16xf32> to vector<16xf32>
    %get3A_636 = arith.index_cast %select_n3A_34 : i32 to index
    %get3A_637 = arith.constant 832 : index
    %get3A_638 = tpu.vector_load %arg6[%get3A_636, %get3A_637] {strides = array<i32>} : memref<8x1024xf32, #tpu.memory_space<vmem>>, vector<1x16xf32>,
    %get3A_639 = vector.shape_cast %get3A_638 : vector<1x16xf32> to vector<16xf32>
    %mul3A_640 = arith.mulf %get3A_635, %get3A_639 : vector<16xf32>
    %add3A_641 = arith.addf %broadcast_in_dim3A_631, %mul3A_640 : vector<16xf32>
    %get3A_642 = arith.index_cast %select_n3A : i32 to index
    %get3A_643 = arith.constant 848 : index
    %get3A_644 = tpu.vector_load %arg5[%get3A_642, %get3A_643] {strides = array<i32>} : memref<8x1024xf32, #tpu.memory_space<vmem>>, vector<1x16xf32>,
    %get3A_645 = vector.shape_cast %get3A_644 : vector<1x16xf32> to vector<16xf32>
    %get3A_646 = arith.index_cast %select_n3A_34 : i32 to index
    %get3A_647 = arith.constant 848 : index
    %get3A_648 = tpu.vector_load %arg6[%get3A_646, %get3A_647] {strides = array<i32>} : memref<8x1024xf32, #tpu.memory_space<vmem>>, vector<1x16xf32>,
    %get3A_649 = vector.shape_cast %get3A_648 : vector<1x16xf32> to vector<16xf32>
    %mul3A_650 = arith.mulf %get3A_645, %get3A_649 : vector<16xf32>
    %add3A_651 = arith.addf %add3A_641, %mul3A_650 : vector<16xf32>
    %get3A_652 = arith.index_cast %select_n3A : i32 to index
    %get3A_653 = arith.constant 864 : index
    %get3A_654 = tpu.vector_load %arg5[%get3A_652, %get3A_653] {strides = array<i32>} : memref<8x1024xf32, #tpu.memory_space<vmem>>, vector<1x16xf32>,
    %get3A_655 = vector.shape_cast %get3A_654 : vector<1x16xf32> to vector<16xf32>
    %get3A_656 = arith.index_cast %select_n3A_34 : i32 to index
    %get3A_657 = arith.constant 864 : index
    %get3A_658 = tpu.vector_load %arg6[%get3A_656, %get3A_657] {strides = array<i32>} : memref<8x1024xf32, #tpu.memory_space<vmem>>, vector<1x16xf32>,
    %get3A_659 = vector.shape_cast %get3A_658 : vector<1x16xf32> to vector<16xf32>
    %mul3A_660 = arith.mulf %get3A_655, %get3A_659 : vector<16xf32>
    %add3A_661 = arith.addf %add3A_651, %mul3A_660 : vector<16xf32>
    %get3A_662 = arith.index_cast %select_n3A : i32 to index
    %get3A_663 = arith.constant 880 : index
    %get3A_664 = tpu.vector_load %arg5[%get3A_662, %get3A_663] {strides = array<i32>} : memref<8x1024xf32, #tpu.memory_space<vmem>>, vector<1x16xf32>,
    %get3A_665 = vector.shape_cast %get3A_664 : vector<1x16xf32> to vector<16xf32>
    %get3A_666 = arith.index_cast %select_n3A_34 : i32 to index
    %get3A_667 = arith.constant 880 : index
    %get3A_668 = tpu.vector_load %arg6[%get3A_666, %get3A_667] {strides = array<i32>} : memref<8x1024xf32, #tpu.memory_space<vmem>>, vector<1x16xf32>,
    %get3A_669 = vector.shape_cast %get3A_668 : vector<1x16xf32> to vector<16xf32>
    %mul3A_670 = arith.mulf %get3A_665, %get3A_669 : vector<16xf32>
    %add3A_671 = arith.addf %add3A_661, %mul3A_670 : vector<16xf32>
    %swap3A_672 = arith.constant 208 : index
    %swap3A_673 = tpu.vector_load %arg7[%swap3A_672] {strides = array<i32>} : memref<512xf32, #tpu.memory_space<vmem>>, vector<16xf32>,
    %swap3A_674 = vector.shape_cast %swap3A_673 : vector<16xf32> to vector<16xf32>
    %swap3A_675 = vector.shape_cast %add3A_671 : vector<16xf32> to vector<16xf32>
    tpu.vector_store %arg7[%swap3A_672], %swap3A_675 {strides = array<i32>} : memref<512xf32, #tpu.memory_space<vmem>>, vector<16xf32>,
    %broadcast_in_dim3A_676 = arith.constant 0.000000e+00 : f32
    %broadcast_in_dim3A_677 = vector.broadcast %broadcast_in_dim3A_676 : f32 to vector<16xf32>
    %get3A_678 = arith.index_cast %select_n3A : i32 to index
    %get3A_679 = arith.constant 896 : index
    %get3A_680 = tpu.vector_load %arg5[%get3A_678, %get3A_679] {strides = array<i32>} : memref<8x1024xf32, #tpu.memory_space<vmem>>, vector<1x16xf32>,
    %get3A_681 = vector.shape_cast %get3A_680 : vector<1x16xf32> to vector<16xf32>
    %get3A_682 = arith.index_cast %select_n3A_34 : i32 to index
    %get3A_683 = arith.constant 896 : index
    %get3A_684 = tpu.vector_load %arg6[%get3A_682, %get3A_683] {strides = array<i32>} : memref<8x1024xf32, #tpu.memory_space<vmem>>, vector<1x16xf32>,
    %get3A_685 = vector.shape_cast %get3A_684 : vector<1x16xf32> to vector<16xf32>
    %mul3A_686 = arith.mulf %get3A_681, %get3A_685 : vector<16xf32>
    %add3A_687 = arith.addf %broadcast_in_dim3A_677, %mul3A_686 : vector<16xf32>
    %get3A_688 = arith.index_cast %select_n3A : i32 to index
    %get3A_689 = arith.constant 912 : index
    %get3A_690 = tpu.vector_load %arg5[%get3A_688, %get3A_689] {strides = array<i32>} : memref<8x1024xf32, #tpu.memory_space<vmem>>, vector<1x16xf32>,
    %get3A_691 = vector.shape_cast %get3A_690 : vector<1x16xf32> to vector<16xf32>
    %get3A_692 = arith.index_cast %select_n3A_34 : i32 to index
    %get3A_693 = arith.constant 912 : index
    %get3A_694 = tpu.vector_load %arg6[%get3A_692, %get3A_693] {strides = array<i32>} : memref<8x1024xf32, #tpu.memory_space<vmem>>, vector<1x16xf32>,
    %get3A_695 = vector.shape_cast %get3A_694 : vector<1x16xf32> to vector<16xf32>
    %mul3A_696 = arith.mulf %get3A_691, %get3A_695 : vector<16xf32>
    %add3A_697 = arith.addf %add3A_687, %mul3A_696 : vector<16xf32>
    %get3A_698 = arith.index_cast %select_n3A : i32 to index
    %get3A_699 = arith.constant 928 : index
    %get3A_700 = tpu.vector_load %arg5[%get3A_698, %get3A_699] {strides = array<i32>} : memref<8x1024xf32, #tpu.memory_space<vmem>>, vector<1x16xf32>,
    %get3A_701 = vector.shape_cast %get3A_700 : vector<1x16xf32> to vector<16xf32>
    %get3A_702 = arith.index_cast %select_n3A_34 : i32 to index
    %get3A_703 = arith.constant 928 : index
    %get3A_704 = tpu.vector_load %arg6[%get3A_702, %get3A_703] {strides = array<i32>} : memref<8x1024xf32, #tpu.memory_space<vmem>>, vector<1x16xf32>,
    %get3A_705 = vector.shape_cast %get3A_704 : vector<1x16xf32> to vector<16xf32>
    %mul3A_706 = arith.mulf %get3A_701, %get3A_705 : vector<16xf32>
    %add3A_707 = arith.addf %add3A_697, %mul3A_706 : vector<16xf32>
    %get3A_708 = arith.index_cast %select_n3A : i32 to index
    %get3A_709 = arith.constant 944 : index
    %get3A_710 = tpu.vector_load %arg5[%get3A_708, %get3A_709] {strides = array<i32>} : memref<8x1024xf32, #tpu.memory_space<vmem>>, vector<1x16xf32>,
    %get3A_711 = vector.shape_cast %get3A_710 : vector<1x16xf32> to vector<16xf32>
    %get3A_712 = arith.index_cast %select_n3A_34 : i32 to index
    %get3A_713 = arith.constant 944 : index
    %get3A_714 = tpu.vector_load %arg6[%get3A_712, %get3A_713] {strides = array<i32>} : memref<8x1024xf32, #tpu.memory_space<vmem>>, vector<1x16xf32>,
    %get3A_715 = vector.shape_cast %get3A_714 : vector<1x16xf32> to vector<16xf32>
    %mul3A_716 = arith.mulf %get3A_711, %get3A_715 : vector<16xf32>
    %add3A_717 = arith.addf %add3A_707, %mul3A_716 : vector<16xf32>
    %swap3A_718 = arith.constant 224 : index
    %swap3A_719 = tpu.vector_load %arg7[%swap3A_718] {strides = array<i32>} : memref<512xf32, #tpu.memory_space<vmem>>, vector<16xf32>,
    %swap3A_720 = vector.shape_cast %swap3A_719 : vector<16xf32> to vector<16xf32>
    %swap3A_721 = vector.shape_cast %add3A_717 : vector<16xf32> to vector<16xf32>
    tpu.vector_store %arg7[%swap3A_718], %swap3A_721 {strides = array<i32>} : memref<512xf32, #tpu.memory_space<vmem>>, vector<16xf32>,
    %broadcast_in_dim3A_722 = arith.constant 0.000000e+00 : f32
    %broadcast_in_dim3A_723 = vector.broadcast %broadcast_in_dim3A_722 : f32 to vector<16xf32>
    %get3A_724 = arith.index_cast %select_n3A : i32 to index
    %get3A_725 = arith.constant 960 : index
    %get3A_726 = tpu.vector_load %arg5[%get3A_724, %get3A_725] {strides = array<i32>} : memref<8x1024xf32, #tpu.memory_space<vmem>>, vector<1x16xf32>,
    %get3A_727 = vector.shape_cast %get3A_726 : vector<1x16xf32> to vector<16xf32>
    %get3A_728 = arith.index_cast %select_n3A_34 : i32 to index
    %get3A_729 = arith.constant 960 : index
    %get3A_730 = tpu.vector_load %arg6[%get3A_728, %get3A_729] {strides = array<i32>} : memref<8x1024xf32, #tpu.memory_space<vmem>>, vector<1x16xf32>,
    %get3A_731 = vector.shape_cast %get3A_730 : vector<1x16xf32> to vector<16xf32>
    %mul3A_732 = arith.mulf %get3A_727, %get3A_731 : vector<16xf32>
    %add3A_733 = arith.addf %broadcast_in_dim3A_723, %mul3A_732 : vector<16xf32>
    %get3A_734 = arith.index_cast %select_n3A : i32 to index
    %get3A_735 = arith.constant 976 : index
    %get3A_736 = tpu.vector_load %arg5[%get3A_734, %get3A_735] {strides = array<i32>} : memref<8x1024xf32, #tpu.memory_space<vmem>>, vector<1x16xf32>,
    %get3A_737 = vector.shape_cast %get3A_736 : vector<1x16xf32> to vector<16xf32>
    %get3A_738 = arith.index_cast %select_n3A_34 : i32 to index
    %get3A_739 = arith.constant 976 : index
    %get3A_740 = tpu.vector_load %arg6[%get3A_738, %get3A_739] {strides = array<i32>} : memref<8x1024xf32, #tpu.memory_space<vmem>>, vector<1x16xf32>,
    %get3A_741 = vector.shape_cast %get3A_740 : vector<1x16xf32> to vector<16xf32>
    %mul3A_742 = arith.mulf %get3A_737, %get3A_741 : vector<16xf32>
    %add3A_743 = arith.addf %add3A_733, %mul3A_742 : vector<16xf32>
    %get3A_744 = arith.index_cast %select_n3A : i32 to index
    %get3A_745 = arith.constant 992 : index
    %get3A_746 = tpu.vector_load %arg5[%get3A_744, %get3A_745] {strides = array<i32>} : memref<8x1024xf32, #tpu.memory_space<vmem>>, vector<1x16xf32>,
    %get3A_747 = vector.shape_cast %get3A_746 : vector<1x16xf32> to vector<16xf32>
    %get3A_748 = arith.index_cast %select_n3A_34 : i32 to index
    %get3A_749 = arith.constant 992 : index
    %get3A_750 = tpu.vector_load %arg6[%get3A_748, %get3A_749] {strides = array<i32>} : memref<8x1024xf32, #tpu.memory_space<vmem>>, vector<1x16xf32>,
    %get3A_751 = vector.shape_cast %get3A_750 : vector<1x16xf32> to vector<16xf32>
    %mul3A_752 = arith.mulf %get3A_747, %get3A_751 : vector<16xf32>
    %add3A_753 = arith.addf %add3A_743, %mul3A_752 : vector<16xf32>
    %get3A_754 = arith.index_cast %select_n3A : i32 to index
    %get3A_755 = arith.constant 1008 : index
    %get3A_756 = tpu.vector_load %arg5[%get3A_754, %get3A_755] {strides = array<i32>} : memref<8x1024xf32, #tpu.memory_space<vmem>>, vector<1x16xf32>,
    %get3A_757 = vector.shape_cast %get3A_756 : vector<1x16xf32> to vector<16xf32>
    %get3A_758 = arith.index_cast %select_n3A_34 : i32 to index
    %get3A_759 = arith.constant 1008 : index
    %get3A_760 = tpu.vector_load %arg6[%get3A_758, %get3A_759] {strides = array<i32>} : memref<8x1024xf32, #tpu.memory_space<vmem>>, vector<1x16xf32>,
    %get3A_761 = vector.shape_cast %get3A_760 : vector<1x16xf32> to vector<16xf32>
    %mul3A_762 = arith.mulf %get3A_757, %get3A_761 : vector<16xf32>
    %add3A_763 = arith.addf %add3A_753, %mul3A_762 : vector<16xf32>
    %swap3A_764 = arith.constant 240 : index
    %swap3A_765 = tpu.vector_load %arg7[%swap3A_764] {strides = array<i32>} : memref<512xf32, #tpu.memory_space<vmem>>, vector<16xf32>,
    %swap3A_766 = vector.shape_cast %swap3A_765 : vector<16xf32> to vector<16xf32>
    %swap3A_767 = vector.shape_cast %add3A_763 : vector<16xf32> to vector<16xf32>
    tpu.vector_store %arg7[%swap3A_764], %swap3A_767 {strides = array<i32>} : memref<512xf32, #tpu.memory_space<vmem>>, vector<16xf32>,
    %mul3A_768 = arith.constant 2 : i32
    %mul3A_769 = arith.muli %add3A, %mul3A_768 : i32
    %add3A_770 = arith.constant 1 : i32
    %add3A_771 = arith.addi %mul3A_769, %add3A_770 : i32
    %jit3A_772 = arith.constant 8 : i32
    %div3A_773 = arith.divsi %add3A_771, %jit3A_772 : i32
    %sign3A_774 = arith.constant 0 : i32
    %sign3A_775 = arith.cmpi sgt, %add3A_771, %sign3A_774 : i32
    %sign3A_776 = arith.extui %sign3A_775 : i1 to i32
    %sign3A_777 = arith.constant 0 : i32
    %sign3A_778 = arith.cmpi slt, %add3A_771, %sign3A_777 : i32
    %sign3A_779 = arith.extui %sign3A_778 : i1 to i32
    %sign3A_780 = arith.subi %sign3A_776, %sign3A_779 : i32
    %sign3A_781 = arith.constant 0 : i32
    %sign3A_782 = arith.cmpi sgt, %jit3A_772, %sign3A_781 : i32
    %sign3A_783 = arith.extui %sign3A_782 : i1 to i32
    %sign3A_784 = arith.constant 0 : i32
    %sign3A_785 = arith.cmpi slt, %jit3A_772, %sign3A_784 : i32
    %sign3A_786 = arith.extui %sign3A_785 : i1 to i32
    %sign3A_787 = arith.subi %sign3A_783, %sign3A_786 : i32
    %ne3A_788 = arith.cmpi ne, %sign3A_780, %sign3A_787 : i32
    %rem3A_789 = arith.remsi %add3A_771, %jit3A_772 : i32
    %ne3A_790 = arith.constant 0 : i32
    %ne3A_791 = arith.cmpi ne, %rem3A_789, %ne3A_790 : i32
    %and3A_792 = arith.andi %ne3A_788, %ne3A_791 : i1
    %sub3A_793 = arith.constant 1 : i32
    %sub3A_794 = arith.subi %div3A_773, %sub3A_793 : i32
    %select_n3A_795 = arith.select %and3A_792, %sub3A_794, %div3A_773 : i32
    %jit3A_796 = arith.constant 8 : i32
    %eq3A_797 = arith.constant 0 : i32
    %eq3A_798 = arith.cmpi eq, %jit3A_796, %eq3A_797 : i32
    %jit3A_799 = arith.constant 1 : i32
    %select_n3A_800 = arith.select %eq3A_798, %jit3A_799, %jit3A_796 : i32
    %rem3A_801 = arith.remsi %add3A_771, %select_n3A_800 : i32
    %ne3A_802 = arith.constant 0 : i32
    %ne3A_803 = arith.cmpi ne, %rem3A_801, %ne3A_802 : i32
    %lt3A_804 = arith.constant 0 : i32
    %lt3A_805 = arith.cmpi slt, %rem3A_801, %lt3A_804 : i32
    %lt3A_806 = arith.constant 0 : i32
    %lt3A_807 = arith.cmpi slt, %select_n3A_800, %lt3A_806 : i32
    %ne3A_808 = arith.xori %lt3A_805, %lt3A_807 : i1
    %and3A_809 = arith.andi %ne3A_808, %ne3A_803 : i1
    %add3A_810 = arith.addi %rem3A_801, %select_n3A_800 : i32
    %select_n3A_811 = arith.select %and3A_809, %add3A_810, %rem3A_801 : i32
    %broadcast_in_dim3A_812 = arith.constant 0.000000e+00 : f32
    %broadcast_in_dim3A_813 = vector.broadcast %broadcast_in_dim3A_812 : f32 to vector<16xf32>
    %get3A_814 = arith.index_cast %select_n3A_795 : i32 to index
    %get3A_815 = arith.constant 0 : index
    %get3A_816 = tpu.vector_load %arg5[%get3A_814, %get3A_815] {strides = array<i32>} : memref<8x1024xf32, #tpu.memory_space<vmem>>, vector<1x16xf32>,
    %get3A_817 = vector.shape_cast %get3A_816 : vector<1x16xf32> to vector<16xf32>
    %get3A_818 = arith.index_cast %select_n3A_811 : i32 to index
    %get3A_819 = arith.constant 0 : index
    %get3A_820 = tpu.vector_load %arg6[%get3A_818, %get3A_819] {strides = array<i32>} : memref<8x1024xf32, #tpu.memory_space<vmem>>, vector<1x16xf32>,
    %get3A_821 = vector.shape_cast %get3A_820 : vector<1x16xf32> to vector<16xf32>
    %mul3A_822 = arith.mulf %get3A_817, %get3A_821 : vector<16xf32>
    %add3A_823 = arith.addf %broadcast_in_dim3A_813, %mul3A_822 : vector<16xf32>
    %get3A_824 = arith.index_cast %select_n3A_795 : i32 to index
    %get3A_825 = arith.constant 16 : index
    %get3A_826 = tpu.vector_load %arg5[%get3A_824, %get3A_825] {strides = array<i32>} : memref<8x1024xf32, #tpu.memory_space<vmem>>, vector<1x16xf32>,
    %get3A_827 = vector.shape_cast %get3A_826 : vector<1x16xf32> to vector<16xf32>
    %get3A_828 = arith.index_cast %select_n3A_811 : i32 to index
    %get3A_829 = arith.constant 16 : index
    %get3A_830 = tpu.vector_load %arg6[%get3A_828, %get3A_829] {strides = array<i32>} : memref<8x1024xf32, #tpu.memory_space<vmem>>, vector<1x16xf32>,
    %get3A_831 = vector.shape_cast %get3A_830 : vector<1x16xf32> to vector<16xf32>
    %mul3A_832 = arith.mulf %get3A_827, %get3A_831 : vector<16xf32>
    %add3A_833 = arith.addf %add3A_823, %mul3A_832 : vector<16xf32>
    %get3A_834 = arith.index_cast %select_n3A_795 : i32 to index
    %get3A_835 = arith.constant 32 : index
    %get3A_836 = tpu.vector_load %arg5[%get3A_834, %get3A_835] {strides = array<i32>} : memref<8x1024xf32, #tpu.memory_space<vmem>>, vector<1x16xf32>,
    %get3A_837 = vector.shape_cast %get3A_836 : vector<1x16xf32> to vector<16xf32>
    %get3A_838 = arith.index_cast %select_n3A_811 : i32 to index
    %get3A_839 = arith.constant 32 : index
    %get3A_840 = tpu.vector_load %arg6[%get3A_838, %get3A_839] {strides = array<i32>} : memref<8x1024xf32, #tpu.memory_space<vmem>>, vector<1x16xf32>,
    %get3A_841 = vector.shape_cast %get3A_840 : vector<1x16xf32> to vector<16xf32>
    %mul3A_842 = arith.mulf %get3A_837, %get3A_841 : vector<16xf32>
    %add3A_843 = arith.addf %add3A_833, %mul3A_842 : vector<16xf32>
    %get3A_844 = arith.index_cast %select_n3A_795 : i32 to index
    %get3A_845 = arith.constant 48 : index
    %get3A_846 = tpu.vector_load %arg5[%get3A_844, %get3A_845] {strides = array<i32>} : memref<8x1024xf32, #tpu.memory_space<vmem>>, vector<1x16xf32>,
    %get3A_847 = vector.shape_cast %get3A_846 : vector<1x16xf32> to vector<16xf32>
    %get3A_848 = arith.index_cast %select_n3A_811 : i32 to index
    %get3A_849 = arith.constant 48 : index
    %get3A_850 = tpu.vector_load %arg6[%get3A_848, %get3A_849] {strides = array<i32>} : memref<8x1024xf32, #tpu.memory_space<vmem>>, vector<1x16xf32>,
    %get3A_851 = vector.shape_cast %get3A_850 : vector<1x16xf32> to vector<16xf32>
    %mul3A_852 = arith.mulf %get3A_847, %get3A_851 : vector<16xf32>
    %add3A_853 = arith.addf %add3A_843, %mul3A_852 : vector<16xf32>
    %swap3A_854 = arith.constant 256 : index
    %swap3A_855 = tpu.vector_load %arg7[%swap3A_854] {strides = array<i32>} : memref<512xf32, #tpu.memory_space<vmem>>, vector<16xf32>,
    %swap3A_856 = vector.shape_cast %swap3A_855 : vector<16xf32> to vector<16xf32>
    %swap3A_857 = vector.shape_cast %add3A_853 : vector<16xf32> to vector<16xf32>
    tpu.vector_store %arg7[%swap3A_854], %swap3A_857 {strides = array<i32>} : memref<512xf32, #tpu.memory_space<vmem>>, vector<16xf32>,
    %broadcast_in_dim3A_858 = arith.constant 0.000000e+00 : f32
    %broadcast_in_dim3A_859 = vector.broadcast %broadcast_in_dim3A_858 : f32 to vector<16xf32>
    %get3A_860 = arith.index_cast %select_n3A_795 : i32 to index
    %get3A_861 = arith.constant 64 : index
    %get3A_862 = tpu.vector_load %arg5[%get3A_860, %get3A_861] {strides = array<i32>} : memref<8x1024xf32, #tpu.memory_space<vmem>>, vector<1x16xf32>,
    %get3A_863 = vector.shape_cast %get3A_862 : vector<1x16xf32> to vector<16xf32>
    %get3A_864 = arith.index_cast %select_n3A_811 : i32 to index
    %get3A_865 = arith.constant 64 : index
    %get3A_866 = tpu.vector_load %arg6[%get3A_864, %get3A_865] {strides = array<i32>} : memref<8x1024xf32, #tpu.memory_space<vmem>>, vector<1x16xf32>,
    %get3A_867 = vector.shape_cast %get3A_866 : vector<1x16xf32> to vector<16xf32>
    %mul3A_868 = arith.mulf %get3A_863, %get3A_867 : vector<16xf32>
    %add3A_869 = arith.addf %broadcast_in_dim3A_859, %mul3A_868 : vector<16xf32>
    %get3A_870 = arith.index_cast %select_n3A_795 : i32 to index
    %get3A_871 = arith.constant 80 : index
    %get3A_872 = tpu.vector_load %arg5[%get3A_870, %get3A_871] {strides = array<i32>} : memref<8x1024xf32, #tpu.memory_space<vmem>>, vector<1x16xf32>,
    %get3A_873 = vector.shape_cast %get3A_872 : vector<1x16xf32> to vector<16xf32>
    %get3A_874 = arith.index_cast %select_n3A_811 : i32 to index
    %get3A_875 = arith.constant 80 : index
    %get3A_876 = tpu.vector_load %arg6[%get3A_874, %get3A_875] {strides = array<i32>} : memref<8x1024xf32, #tpu.memory_space<vmem>>, vector<1x16xf32>,
    %get3A_877 = vector.shape_cast %get3A_876 : vector<1x16xf32> to vector<16xf32>
    %mul3A_878 = arith.mulf %get3A_873, %get3A_877 : vector<16xf32>
    %add3A_879 = arith.addf %add3A_869, %mul3A_878 : vector<16xf32>
    %get3A_880 = arith.index_cast %select_n3A_795 : i32 to index
    %get3A_881 = arith.constant 96 : index
    %get3A_882 = tpu.vector_load %arg5[%get3A_880, %get3A_881] {strides = array<i32>} : memref<8x1024xf32, #tpu.memory_space<vmem>>, vector<1x16xf32>,
    %get3A_883 = vector.shape_cast %get3A_882 : vector<1x16xf32> to vector<16xf32>
    %get3A_884 = arith.index_cast %select_n3A_811 : i32 to index
    %get3A_885 = arith.constant 96 : index
    %get3A_886 = tpu.vector_load %arg6[%get3A_884, %get3A_885] {strides = array<i32>} : memref<8x1024xf32, #tpu.memory_space<vmem>>, vector<1x16xf32>,
    %get3A_887 = vector.shape_cast %get3A_886 : vector<1x16xf32> to vector<16xf32>
    %mul3A_888 = arith.mulf %get3A_883, %get3A_887 : vector<16xf32>
    %add3A_889 = arith.addf %add3A_879, %mul3A_888 : vector<16xf32>
    %get3A_890 = arith.index_cast %select_n3A_795 : i32 to index
    %get3A_891 = arith.constant 112 : index
    %get3A_892 = tpu.vector_load %arg5[%get3A_890, %get3A_891] {strides = array<i32>} : memref<8x1024xf32, #tpu.memory_space<vmem>>, vector<1x16xf32>,
    %get3A_893 = vector.shape_cast %get3A_892 : vector<1x16xf32> to vector<16xf32>
    %get3A_894 = arith.index_cast %select_n3A_811 : i32 to index
    %get3A_895 = arith.constant 112 : index
    %get3A_896 = tpu.vector_load %arg6[%get3A_894, %get3A_895] {strides = array<i32>} : memref<8x1024xf32, #tpu.memory_space<vmem>>, vector<1x16xf32>,
    %get3A_897 = vector.shape_cast %get3A_896 : vector<1x16xf32> to vector<16xf32>
    %mul3A_898 = arith.mulf %get3A_893, %get3A_897 : vector<16xf32>
    %add3A_899 = arith.addf %add3A_889, %mul3A_898 : vector<16xf32>
    %swap3A_900 = arith.constant 272 : index
    %swap3A_901 = tpu.vector_load %arg7[%swap3A_900] {strides = array<i32>} : memref<512xf32, #tpu.memory_space<vmem>>, vector<16xf32>,
    %swap3A_902 = vector.shape_cast %swap3A_901 : vector<16xf32> to vector<16xf32>
    %swap3A_903 = vector.shape_cast %add3A_899 : vector<16xf32> to vector<16xf32>
    tpu.vector_store %arg7[%swap3A_900], %swap3A_903 {strides = array<i32>} : memref<512xf32, #tpu.memory_space<vmem>>, vector<16xf32>,
    %broadcast_in_dim3A_904 = arith.constant 0.000000e+00 : f32
    %broadcast_in_dim3A_905 = vector.broadcast %broadcast_in_dim3A_904 : f32 to vector<16xf32>
    %get3A_906 = arith.index_cast %select_n3A_795 : i32 to index
    %get3A_907 = arith.constant 128 : index
    %get3A_908 = tpu.vector_load %arg5[%get3A_906, %get3A_907] {strides = array<i32>} : memref<8x1024xf32, #tpu.memory_space<vmem>>, vector<1x16xf32>,
    %get3A_909 = vector.shape_cast %get3A_908 : vector<1x16xf32> to vector<16xf32>
    %get3A_910 = arith.index_cast %select_n3A_811 : i32 to index
    %get3A_911 = arith.constant 128 : index
    %get3A_912 = tpu.vector_load %arg6[%get3A_910, %get3A_911] {strides = array<i32>} : memref<8x1024xf32, #tpu.memory_space<vmem>>, vector<1x16xf32>,
    %get3A_913 = vector.shape_cast %get3A_912 : vector<1x16xf32> to vector<16xf32>
    %mul3A_914 = arith.mulf %get3A_909, %get3A_913 : vector<16xf32>
    %add3A_915 = arith.addf %broadcast_in_dim3A_905, %mul3A_914 : vector<16xf32>
    %get3A_916 = arith.index_cast %select_n3A_795 : i32 to index
    %get3A_917 = arith.constant 144 : index
    %get3A_918 = tpu.vector_load %arg5[%get3A_916, %get3A_917] {strides = array<i32>} : memref<8x1024xf32, #tpu.memory_space<vmem>>, vector<1x16xf32>,
    %get3A_919 = vector.shape_cast %get3A_918 : vector<1x16xf32> to vector<16xf32>
    %get3A_920 = arith.index_cast %select_n3A_811 : i32 to index
    %get3A_921 = arith.constant 144 : index
    %get3A_922 = tpu.vector_load %arg6[%get3A_920, %get3A_921] {strides = array<i32>} : memref<8x1024xf32, #tpu.memory_space<vmem>>, vector<1x16xf32>,
    %get3A_923 = vector.shape_cast %get3A_922 : vector<1x16xf32> to vector<16xf32>
    %mul3A_924 = arith.mulf %get3A_919, %get3A_923 : vector<16xf32>
    %add3A_925 = arith.addf %add3A_915, %mul3A_924 : vector<16xf32>
    %get3A_926 = arith.index_cast %select_n3A_795 : i32 to index
    %get3A_927 = arith.constant 160 : index
    %get3A_928 = tpu.vector_load %arg5[%get3A_926, %get3A_927] {strides = array<i32>} : memref<8x1024xf32, #tpu.memory_space<vmem>>, vector<1x16xf32>,
    %get3A_929 = vector.shape_cast %get3A_928 : vector<1x16xf32> to vector<16xf32>
    %get3A_930 = arith.index_cast %select_n3A_811 : i32 to index
    %get3A_931 = arith.constant 160 : index
    %get3A_932 = tpu.vector_load %arg6[%get3A_930, %get3A_931] {strides = array<i32>} : memref<8x1024xf32, #tpu.memory_space<vmem>>, vector<1x16xf32>,
    %get3A_933 = vector.shape_cast %get3A_932 : vector<1x16xf32> to vector<16xf32>
    %mul3A_934 = arith.mulf %get3A_929, %get3A_933 : vector<16xf32>
    %add3A_935 = arith.addf %add3A_925, %mul3A_934 : vector<16xf32>
    %get3A_936 = arith.index_cast %select_n3A_795 : i32 to index
    %get3A_937 = arith.constant 176 : index
    %get3A_938 = tpu.vector_load %arg5[%get3A_936, %get3A_937] {strides = array<i32>} : memref<8x1024xf32, #tpu.memory_space<vmem>>, vector<1x16xf32>,
    %get3A_939 = vector.shape_cast %get3A_938 : vector<1x16xf32> to vector<16xf32>
    %get3A_940 = arith.index_cast %select_n3A_811 : i32 to index
    %get3A_941 = arith.constant 176 : index
    %get3A_942 = tpu.vector_load %arg6[%get3A_940, %get3A_941] {strides = array<i32>} : memref<8x1024xf32, #tpu.memory_space<vmem>>, vector<1x16xf32>,
    %get3A_943 = vector.shape_cast %get3A_942 : vector<1x16xf32> to vector<16xf32>
    %mul3A_944 = arith.mulf %get3A_939, %get3A_943 : vector<16xf32>
    %add3A_945 = arith.addf %add3A_935, %mul3A_944 : vector<16xf32>
    %swap3A_946 = arith.constant 288 : index
    %swap3A_947 = tpu.vector_load %arg7[%swap3A_946] {strides = array<i32>} : memref<512xf32, #tpu.memory_space<vmem>>, vector<16xf32>,
    %swap3A_948 = vector.shape_cast %swap3A_947 : vector<16xf32> to vector<16xf32>
    %swap3A_949 = vector.shape_cast %add3A_945 : vector<16xf32> to vector<16xf32>
    tpu.vector_store %arg7[%swap3A_946], %swap3A_949 {strides = array<i32>} : memref<512xf32, #tpu.memory_space<vmem>>, vector<16xf32>,
    %broadcast_in_dim3A_950 = arith.constant 0.000000e+00 : f32
    %broadcast_in_dim3A_951 = vector.broadcast %broadcast_in_dim3A_950 : f32 to vector<16xf32>
    %get3A_952 = arith.index_cast %select_n3A_795 : i32 to index
    %get3A_953 = arith.constant 192 : index
    %get3A_954 = tpu.vector_load %arg5[%get3A_952, %get3A_953] {strides = array<i32>} : memref<8x1024xf32, #tpu.memory_space<vmem>>, vector<1x16xf32>,
    %get3A_955 = vector.shape_cast %get3A_954 : vector<1x16xf32> to vector<16xf32>
    %get3A_956 = arith.index_cast %select_n3A_811 : i32 to index
    %get3A_957 = arith.constant 192 : index
    %get3A_958 = tpu.vector_load %arg6[%get3A_956, %get3A_957] {strides = array<i32>} : memref<8x1024xf32, #tpu.memory_space<vmem>>, vector<1x16xf32>,
    %get3A_959 = vector.shape_cast %get3A_958 : vector<1x16xf32> to vector<16xf32>
    %mul3A_960 = arith.mulf %get3A_955, %get3A_959 : vector<16xf32>
    %add3A_961 = arith.addf %broadcast_in_dim3A_951, %mul3A_960 : vector<16xf32>
    %get3A_962 = arith.index_cast %select_n3A_795 : i32 to index
    %get3A_963 = arith.constant 208 : index
    %get3A_964 = tpu.vector_load %arg5[%get3A_962, %get3A_963] {strides = array<i32>} : memref<8x1024xf32, #tpu.memory_space<vmem>>, vector<1x16xf32>,
    %get3A_965 = vector.shape_cast %get3A_964 : vector<1x16xf32> to vector<16xf32>
    %get3A_966 = arith.index_cast %select_n3A_811 : i32 to index
    %get3A_967 = arith.constant 208 : index
    %get3A_968 = tpu.vector_load %arg6[%get3A_966, %get3A_967] {strides = array<i32>} : memref<8x1024xf32, #tpu.memory_space<vmem>>, vector<1x16xf32>,
    %get3A_969 = vector.shape_cast %get3A_968 : vector<1x16xf32> to vector<16xf32>
    %mul3A_970 = arith.mulf %get3A_965, %get3A_969 : vector<16xf32>
    %add3A_971 = arith.addf %add3A_961, %mul3A_970 : vector<16xf32>
    %get3A_972 = arith.index_cast %select_n3A_795 : i32 to index
    %get3A_973 = arith.constant 224 : index
    %get3A_974 = tpu.vector_load %arg5[%get3A_972, %get3A_973] {strides = array<i32>} : memref<8x1024xf32, #tpu.memory_space<vmem>>, vector<1x16xf32>,
    %get3A_975 = vector.shape_cast %get3A_974 : vector<1x16xf32> to vector<16xf32>
    %get3A_976 = arith.index_cast %select_n3A_811 : i32 to index
    %get3A_977 = arith.constant 224 : index
    %get3A_978 = tpu.vector_load %arg6[%get3A_976, %get3A_977] {strides = array<i32>} : memref<8x1024xf32, #tpu.memory_space<vmem>>, vector<1x16xf32>,
    %get3A_979 = vector.shape_cast %get3A_978 : vector<1x16xf32> to vector<16xf32>
    %mul3A_980 = arith.mulf %get3A_975, %get3A_979 : vector<16xf32>
    %add3A_981 = arith.addf %add3A_971, %mul3A_980 : vector<16xf32>
    %get3A_982 = arith.index_cast %select_n3A_795 : i32 to index
    %get3A_983 = arith.constant 240 : index
    %get3A_984 = tpu.vector_load %arg5[%get3A_982, %get3A_983] {strides = array<i32>} : memref<8x1024xf32, #tpu.memory_space<vmem>>, vector<1x16xf32>,
    %get3A_985 = vector.shape_cast %get3A_984 : vector<1x16xf32> to vector<16xf32>
    %get3A_986 = arith.index_cast %select_n3A_811 : i32 to index
    %get3A_987 = arith.constant 240 : index
    %get3A_988 = tpu.vector_load %arg6[%get3A_986, %get3A_987] {strides = array<i32>} : memref<8x1024xf32, #tpu.memory_space<vmem>>, vector<1x16xf32>,
    %get3A_989 = vector.shape_cast %get3A_988 : vector<1x16xf32> to vector<16xf32>
    %mul3A_990 = arith.mulf %get3A_985, %get3A_989 : vector<16xf32>
    %add3A_991 = arith.addf %add3A_981, %mul3A_990 : vector<16xf32>
    %swap3A_992 = arith.constant 304 : index
    %swap3A_993 = tpu.vector_load %arg7[%swap3A_992] {strides = array<i32>} : memref<512xf32, #tpu.memory_space<vmem>>, vector<16xf32>,
    %swap3A_994 = vector.shape_cast %swap3A_993 : vector<16xf32> to vector<16xf32>
    %swap3A_995 = vector.shape_cast %add3A_991 : vector<16xf32> to vector<16xf32>
    tpu.vector_store %arg7[%swap3A_992], %swap3A_995 {strides = array<i32>} : memref<512xf32, #tpu.memory_space<vmem>>, vector<16xf32>,
    %broadcast_in_dim3A_996 = arith.constant 0.000000e+00 : f32
    %broadcast_in_dim3A_997 = vector.broadcast %broadcast_in_dim3A_996 : f32 to vector<16xf32>
    %get3A_998 = arith.index_cast %select_n3A_795 : i32 to index
    %get3A_999 = arith.constant 256 : index
    %get3A_1000 = tpu.vector_load %arg5[%get3A_998, %get3A_999] {strides = array<i32>} : memref<8x1024xf32, #tpu.memory_space<vmem>>, vector<1x16xf32>,
    %get3A_1001 = vector.shape_cast %get3A_1000 : vector<1x16xf32> to vector<16xf32>
    %get3A_1002 = arith.index_cast %select_n3A_811 : i32 to index
    %get3A_1003 = arith.constant 256 : index
    %get3A_1004 = tpu.vector_load %arg6[%get3A_1002, %get3A_1003] {strides = array<i32>} : memref<8x1024xf32, #tpu.memory_space<vmem>>, vector<1x16xf32>,
    %get3A_1005 = vector.shape_cast %get3A_1004 : vector<1x16xf32> to vector<16xf32>
    %mul3A_1006 = arith.mulf %get3A_1001, %get3A_1005 : vector<16xf32>
    %add3A_1007 = arith.addf %broadcast_in_dim3A_997, %mul3A_1006 : vector<16xf32>
    %get3A_1008 = arith.index_cast %select_n3A_795 : i32 to index
    %get3A_1009 = arith.constant 272 : index
    %get3A_1010 = tpu.vector_load %arg5[%get3A_1008, %get3A_1009] {strides = array<i32>} : memref<8x1024xf32, #tpu.memory_space<vmem>>, vector<1x16xf32>,
    %get3A_1011 = vector.shape_cast %get3A_1010 : vector<1x16xf32> to vector<16xf32>
    %get3A_1012 = arith.index_cast %select_n3A_811 : i32 to index
    %get3A_1013 = arith.constant 272 : index
    %get3A_1014 = tpu.vector_load %arg6[%get3A_1012, %get3A_1013] {strides = array<i32>} : memref<8x1024xf32, #tpu.memory_space<vmem>>, vector<1x16xf32>,
    %get3A_1015 = vector.shape_cast %get3A_1014 : vector<1x16xf32> to vector<16xf32>
    %mul3A_1016 = arith.mulf %get3A_1011, %get3A_1015 : vector<16xf32>
    %add3A_1017 = arith.addf %add3A_1007, %mul3A_1016 : vector<16xf32>
    %get3A_1018 = arith.index_cast %select_n3A_795 : i32 to index
    %get3A_1019 = arith.constant 288 : index
    %get3A_1020 = tpu.vector_load %arg5[%get3A_1018, %get3A_1019] {strides = array<i32>} : memref<8x1024xf32, #tpu.memory_space<vmem>>, vector<1x16xf32>,
    %get3A_1021 = vector.shape_cast %get3A_1020 : vector<1x16xf32> to vector<16xf32>
    %get3A_1022 = arith.index_cast %select_n3A_811 : i32 to index
    %get3A_1023 = arith.constant 288 : index
    %get3A_1024 = tpu.vector_load %arg6[%get3A_1022, %get3A_1023] {strides = array<i32>} : memref<8x1024xf32, #tpu.memory_space<vmem>>, vector<1x16xf32>,
    %get3A_1025 = vector.shape_cast %get3A_1024 : vector<1x16xf32> to vector<16xf32>
    %mul3A_1026 = arith.mulf %get3A_1021, %get3A_1025 : vector<16xf32>
    %add3A_1027 = arith.addf %add3A_1017, %mul3A_1026 : vector<16xf32>
    %get3A_1028 = arith.index_cast %select_n3A_795 : i32 to index
    %get3A_1029 = arith.constant 304 : index
    %get3A_1030 = tpu.vector_load %arg5[%get3A_1028, %get3A_1029] {strides = array<i32>} : memref<8x1024xf32, #tpu.memory_space<vmem>>, vector<1x16xf32>,
    %get3A_1031 = vector.shape_cast %get3A_1030 : vector<1x16xf32> to vector<16xf32>
    %get3A_1032 = arith.index_cast %select_n3A_811 : i32 to index
    %get3A_1033 = arith.constant 304 : index
    %get3A_1034 = tpu.vector_load %arg6[%get3A_1032, %get3A_1033] {strides = array<i32>} : memref<8x1024xf32, #tpu.memory_space<vmem>>, vector<1x16xf32>,
    %get3A_1035 = vector.shape_cast %get3A_1034 : vector<1x16xf32> to vector<16xf32>
    %mul3A_1036 = arith.mulf %get3A_1031, %get3A_1035 : vector<16xf32>
    %add3A_1037 = arith.addf %add3A_1027, %mul3A_1036 : vector<16xf32>
    %swap3A_1038 = arith.constant 320 : index
    %swap3A_1039 = tpu.vector_load %arg7[%swap3A_1038] {strides = array<i32>} : memref<512xf32, #tpu.memory_space<vmem>>, vector<16xf32>,
    %swap3A_1040 = vector.shape_cast %swap3A_1039 : vector<16xf32> to vector<16xf32>
    %swap3A_1041 = vector.shape_cast %add3A_1037 : vector<16xf32> to vector<16xf32>
    tpu.vector_store %arg7[%swap3A_1038], %swap3A_1041 {strides = array<i32>} : memref<512xf32, #tpu.memory_space<vmem>>, vector<16xf32>,
    %broadcast_in_dim3A_1042 = arith.constant 0.000000e+00 : f32
    %broadcast_in_dim3A_1043 = vector.broadcast %broadcast_in_dim3A_1042 : f32 to vector<16xf32>
    %get3A_1044 = arith.index_cast %select_n3A_795 : i32 to index
    %get3A_1045 = arith.constant 320 : index
    %get3A_1046 = tpu.vector_load %arg5[%get3A_1044, %get3A_1045] {strides = array<i32>} : memref<8x1024xf32, #tpu.memory_space<vmem>>, vector<1x16xf32>,
    %get3A_1047 = vector.shape_cast %get3A_1046 : vector<1x16xf32> to vector<16xf32>
    %get3A_1048 = arith.index_cast %select_n3A_811 : i32 to index
    %get3A_1049 = arith.constant 320 : index
    %get3A_1050 = tpu.vector_load %arg6[%get3A_1048, %get3A_1049] {strides = array<i32>} : memref<8x1024xf32, #tpu.memory_space<vmem>>, vector<1x16xf32>,
    %get3A_1051 = vector.shape_cast %get3A_1050 : vector<1x16xf32> to vector<16xf32>
    %mul3A_1052 = arith.mulf %get3A_1047, %get3A_1051 : vector<16xf32>
    %add3A_1053 = arith.addf %broadcast_in_dim3A_1043, %mul3A_1052 : vector<16xf32>
    %get3A_1054 = arith.index_cast %select_n3A_795 : i32 to index
    %get3A_1055 = arith.constant 336 : index
    %get3A_1056 = tpu.vector_load %arg5[%get3A_1054, %get3A_1055] {strides = array<i32>} : memref<8x1024xf32, #tpu.memory_space<vmem>>, vector<1x16xf32>,
    %get3A_1057 = vector.shape_cast %get3A_1056 : vector<1x16xf32> to vector<16xf32>
    %get3A_1058 = arith.index_cast %select_n3A_811 : i32 to index
    %get3A_1059 = arith.constant 336 : index
    %get3A_1060 = tpu.vector_load %arg6[%get3A_1058, %get3A_1059] {strides = array<i32>} : memref<8x1024xf32, #tpu.memory_space<vmem>>, vector<1x16xf32>,
    %get3A_1061 = vector.shape_cast %get3A_1060 : vector<1x16xf32> to vector<16xf32>
    %mul3A_1062 = arith.mulf %get3A_1057, %get3A_1061 : vector<16xf32>
    %add3A_1063 = arith.addf %add3A_1053, %mul3A_1062 : vector<16xf32>
    %get3A_1064 = arith.index_cast %select_n3A_795 : i32 to index
    %get3A_1065 = arith.constant 352 : index
    %get3A_1066 = tpu.vector_load %arg5[%get3A_1064, %get3A_1065] {strides = array<i32>} : memref<8x1024xf32, #tpu.memory_space<vmem>>, vector<1x16xf32>,
    %get3A_1067 = vector.shape_cast %get3A_1066 : vector<1x16xf32> to vector<16xf32>
    %get3A_1068 = arith.index_cast %select_n3A_811 : i32 to index
    %get3A_1069 = arith.constant 352 : index
    %get3A_1070 = tpu.vector_load %arg6[%get3A_1068, %get3A_1069] {strides = array<i32>} : memref<8x1024xf32, #tpu.memory_space<vmem>>, vector<1x16xf32>,
    %get3A_1071 = vector.shape_cast %get3A_1070 : vector<1x16xf32> to vector<16xf32>
    %mul3A_1072 = arith.mulf %get3A_1067, %get3A_1071 : vector<16xf32>
    %add3A_1073 = arith.addf %add3A_1063, %mul3A_1072 : vector<16xf32>
    %get3A_1074 = arith.index_cast %select_n3A_795 : i32 to index
    %get3A_1075 = arith.constant 368 : index
    %get3A_1076 = tpu.vector_load %arg5[%get3A_1074, %get3A_1075] {strides = array<i32>} : memref<8x1024xf32, #tpu.memory_space<vmem>>, vector<1x16xf32>,
    %get3A_1077 = vector.shape_cast %get3A_1076 : vector<1x16xf32> to vector<16xf32>
    %get3A_1078 = arith.index_cast %select_n3A_811 : i32 to index
    %get3A_1079 = arith.constant 368 : index
    %get3A_1080 = tpu.vector_load %arg6[%get3A_1078, %get3A_1079] {strides = array<i32>} : memref<8x1024xf32, #tpu.memory_space<vmem>>, vector<1x16xf32>,
    %get3A_1081 = vector.shape_cast %get3A_1080 : vector<1x16xf32> to vector<16xf32>
    %mul3A_1082 = arith.mulf %get3A_1077, %get3A_1081 : vector<16xf32>
    %add3A_1083 = arith.addf %add3A_1073, %mul3A_1082 : vector<16xf32>
    %swap3A_1084 = arith.constant 336 : index
    %swap3A_1085 = tpu.vector_load %arg7[%swap3A_1084] {strides = array<i32>} : memref<512xf32, #tpu.memory_space<vmem>>, vector<16xf32>,
    %swap3A_1086 = vector.shape_cast %swap3A_1085 : vector<16xf32> to vector<16xf32>
    %swap3A_1087 = vector.shape_cast %add3A_1083 : vector<16xf32> to vector<16xf32>
    tpu.vector_store %arg7[%swap3A_1084], %swap3A_1087 {strides = array<i32>} : memref<512xf32, #tpu.memory_space<vmem>>, vector<16xf32>,
    %broadcast_in_dim3A_1088 = arith.constant 0.000000e+00 : f32
    %broadcast_in_dim3A_1089 = vector.broadcast %broadcast_in_dim3A_1088 : f32 to vector<16xf32>
    %get3A_1090 = arith.index_cast %select_n3A_795 : i32 to index
    %get3A_1091 = arith.constant 384 : index
    %get3A_1092 = tpu.vector_load %arg5[%get3A_1090, %get3A_1091] {strides = array<i32>} : memref<8x1024xf32, #tpu.memory_space<vmem>>, vector<1x16xf32>,
    %get3A_1093 = vector.shape_cast %get3A_1092 : vector<1x16xf32> to vector<16xf32>
    %get3A_1094 = arith.index_cast %select_n3A_811 : i32 to index
    %get3A_1095 = arith.constant 384 : index
    %get3A_1096 = tpu.vector_load %arg6[%get3A_1094, %get3A_1095] {strides = array<i32>} : memref<8x1024xf32, #tpu.memory_space<vmem>>, vector<1x16xf32>,
    %get3A_1097 = vector.shape_cast %get3A_1096 : vector<1x16xf32> to vector<16xf32>
    %mul3A_1098 = arith.mulf %get3A_1093, %get3A_1097 : vector<16xf32>
    %add3A_1099 = arith.addf %broadcast_in_dim3A_1089, %mul3A_1098 : vector<16xf32>
    %get3A_1100 = arith.index_cast %select_n3A_795 : i32 to index
    %get3A_1101 = arith.constant 400 : index
    %get3A_1102 = tpu.vector_load %arg5[%get3A_1100, %get3A_1101] {strides = array<i32>} : memref<8x1024xf32, #tpu.memory_space<vmem>>, vector<1x16xf32>,
    %get3A_1103 = vector.shape_cast %get3A_1102 : vector<1x16xf32> to vector<16xf32>
    %get3A_1104 = arith.index_cast %select_n3A_811 : i32 to index
    %get3A_1105 = arith.constant 400 : index
    %get3A_1106 = tpu.vector_load %arg6[%get3A_1104, %get3A_1105] {strides = array<i32>} : memref<8x1024xf32, #tpu.memory_space<vmem>>, vector<1x16xf32>,
    %get3A_1107 = vector.shape_cast %get3A_1106 : vector<1x16xf32> to vector<16xf32>
    %mul3A_1108 = arith.mulf %get3A_1103, %get3A_1107 : vector<16xf32>
    %add3A_1109 = arith.addf %add3A_1099, %mul3A_1108 : vector<16xf32>
    %get3A_1110 = arith.index_cast %select_n3A_795 : i32 to index
    %get3A_1111 = arith.constant 416 : index
    %get3A_1112 = tpu.vector_load %arg5[%get3A_1110, %get3A_1111] {strides = array<i32>} : memref<8x1024xf32, #tpu.memory_space<vmem>>, vector<1x16xf32>,
    %get3A_1113 = vector.shape_cast %get3A_1112 : vector<1x16xf32> to vector<16xf32>
    %get3A_1114 = arith.index_cast %select_n3A_811 : i32 to index
    %get3A_1115 = arith.constant 416 : index
    %get3A_1116 = tpu.vector_load %arg6[%get3A_1114, %get3A_1115] {strides = array<i32>} : memref<8x1024xf32, #tpu.memory_space<vmem>>, vector<1x16xf32>,
    %get3A_1117 = vector.shape_cast %get3A_1116 : vector<1x16xf32> to vector<16xf32>
    %mul3A_1118 = arith.mulf %get3A_1113, %get3A_1117 : vector<16xf32>
    %add3A_1119 = arith.addf %add3A_1109, %mul3A_1118 : vector<16xf32>
    %get3A_1120 = arith.index_cast %select_n3A_795 : i32 to index
    %get3A_1121 = arith.constant 432 : index
    %get3A_1122 = tpu.vector_load %arg5[%get3A_1120, %get3A_1121] {strides = array<i32>} : memref<8x1024xf32, #tpu.memory_space<vmem>>, vector<1x16xf32>,
    %get3A_1123 = vector.shape_cast %get3A_1122 : vector<1x16xf32> to vector<16xf32>
    %get3A_1124 = arith.index_cast %select_n3A_811 : i32 to index
    %get3A_1125 = arith.constant 432 : index
    %get3A_1126 = tpu.vector_load %arg6[%get3A_1124, %get3A_1125] {strides = array<i32>} : memref<8x1024xf32, #tpu.memory_space<vmem>>, vector<1x16xf32>,
    %get3A_1127 = vector.shape_cast %get3A_1126 : vector<1x16xf32> to vector<16xf32>
    %mul3A_1128 = arith.mulf %get3A_1123, %get3A_1127 : vector<16xf32>
    %add3A_1129 = arith.addf %add3A_1119, %mul3A_1128 : vector<16xf32>
    %swap3A_1130 = arith.constant 352 : index
    %swap3A_1131 = tpu.vector_load %arg7[%swap3A_1130] {strides = array<i32>} : memref<512xf32, #tpu.memory_space<vmem>>, vector<16xf32>,
    %swap3A_1132 = vector.shape_cast %swap3A_1131 : vector<16xf32> to vector<16xf32>
    %swap3A_1133 = vector.shape_cast %add3A_1129 : vector<16xf32> to vector<16xf32>
    tpu.vector_store %arg7[%swap3A_1130], %swap3A_1133 {strides = array<i32>} : memref<512xf32, #tpu.memory_space<vmem>>, vector<16xf32>,
    %broadcast_in_dim3A_1134 = arith.constant 0.000000e+00 : f32
    %broadcast_in_dim3A_1135 = vector.broadcast %broadcast_in_dim3A_1134 : f32 to vector<16xf32>
    %get3A_1136 = arith.index_cast %select_n3A_795 : i32 to index
    %get3A_1137 = arith.constant 448 : index
    %get3A_1138 = tpu.vector_load %arg5[%get3A_1136, %get3A_1137] {strides = array<i32>} : memref<8x1024xf32, #tpu.memory_space<vmem>>, vector<1x16xf32>,
    %get3A_1139 = vector.shape_cast %get3A_1138 : vector<1x16xf32> to vector<16xf32>
    %get3A_1140 = arith.index_cast %select_n3A_811 : i32 to index
    %get3A_1141 = arith.constant 448 : index
    %get3A_1142 = tpu.vector_load %arg6[%get3A_1140, %get3A_1141] {strides = array<i32>} : memref<8x1024xf32, #tpu.memory_space<vmem>>, vector<1x16xf32>,
    %get3A_1143 = vector.shape_cast %get3A_1142 : vector<1x16xf32> to vector<16xf32>
    %mul3A_1144 = arith.mulf %get3A_1139, %get3A_1143 : vector<16xf32>
    %add3A_1145 = arith.addf %broadcast_in_dim3A_1135, %mul3A_1144 : vector<16xf32>
    %get3A_1146 = arith.index_cast %select_n3A_795 : i32 to index
    %get3A_1147 = arith.constant 464 : index
    %get3A_1148 = tpu.vector_load %arg5[%get3A_1146, %get3A_1147] {strides = array<i32>} : memref<8x1024xf32, #tpu.memory_space<vmem>>, vector<1x16xf32>,
    %get3A_1149 = vector.shape_cast %get3A_1148 : vector<1x16xf32> to vector<16xf32>
    %get3A_1150 = arith.index_cast %select_n3A_811 : i32 to index
    %get3A_1151 = arith.constant 464 : index
    %get3A_1152 = tpu.vector_load %arg6[%get3A_1150, %get3A_1151] {strides = array<i32>} : memref<8x1024xf32, #tpu.memory_space<vmem>>, vector<1x16xf32>,
    %get3A_1153 = vector.shape_cast %get3A_1152 : vector<1x16xf32> to vector<16xf32>
    %mul3A_1154 = arith.mulf %get3A_1149, %get3A_1153 : vector<16xf32>
    %add3A_1155 = arith.addf %add3A_1145, %mul3A_1154 : vector<16xf32>
    %get3A_1156 = arith.index_cast %select_n3A_795 : i32 to index
    %get3A_1157 = arith.constant 480 : index
    %get3A_1158 = tpu.vector_load %arg5[%get3A_1156, %get3A_1157] {strides = array<i32>} : memref<8x1024xf32, #tpu.memory_space<vmem>>, vector<1x16xf32>,
    %get3A_1159 = vector.shape_cast %get3A_1158 : vector<1x16xf32> to vector<16xf32>
    %get3A_1160 = arith.index_cast %select_n3A_811 : i32 to index
    %get3A_1161 = arith.constant 480 : index
    %get3A_1162 = tpu.vector_load %arg6[%get3A_1160, %get3A_1161] {strides = array<i32>} : memref<8x1024xf32, #tpu.memory_space<vmem>>, vector<1x16xf32>,
    %get3A_1163 = vector.shape_cast %get3A_1162 : vector<1x16xf32> to vector<16xf32>
    %mul3A_1164 = arith.mulf %get3A_1159, %get3A_1163 : vector<16xf32>
    %add3A_1165 = arith.addf %add3A_1155, %mul3A_1164 : vector<16xf32>
    %get3A_1166 = arith.index_cast %select_n3A_795 : i32 to index
    %get3A_1167 = arith.constant 496 : index
    %get3A_1168 = tpu.vector_load %arg5[%get3A_1166, %get3A_1167] {strides = array<i32>} : memref<8x1024xf32, #tpu.memory_space<vmem>>, vector<1x16xf32>,
    %get3A_1169 = vector.shape_cast %get3A_1168 : vector<1x16xf32> to vector<16xf32>
    %get3A_1170 = arith.index_cast %select_n3A_811 : i32 to index
    %get3A_1171 = arith.constant 496 : index
    %get3A_1172 = tpu.vector_load %arg6[%get3A_1170, %get3A_1171] {strides = array<i32>} : memref<8x1024xf32, #tpu.memory_space<vmem>>, vector<1x16xf32>,
    %get3A_1173 = vector.shape_cast %get3A_1172 : vector<1x16xf32> to vector<16xf32>
    %mul3A_1174 = arith.mulf %get3A_1169, %get3A_1173 : vector<16xf32>
    %add3A_1175 = arith.addf %add3A_1165, %mul3A_1174 : vector<16xf32>
    %swap3A_1176 = arith.constant 368 : index
    %swap3A_1177 = tpu.vector_load %arg7[%swap3A_1176] {strides = array<i32>} : memref<512xf32, #tpu.memory_space<vmem>>, vector<16xf32>,
    %swap3A_1178 = vector.shape_cast %swap3A_1177 : vector<16xf32> to vector<16xf32>
    %swap3A_1179 = vector.shape_cast %add3A_1175 : vector<16xf32> to vector<16xf32>
    tpu.vector_store %arg7[%swap3A_1176], %swap3A_1179 {strides = array<i32>} : memref<512xf32, #tpu.memory_space<vmem>>, vector<16xf32>,
    %broadcast_in_dim3A_1180 = arith.constant 0.000000e+00 : f32
    %broadcast_in_dim3A_1181 = vector.broadcast %broadcast_in_dim3A_1180 : f32 to vector<16xf32>
    %get3A_1182 = arith.index_cast %select_n3A_795 : i32 to index
    %get3A_1183 = arith.constant 512 : index
    %get3A_1184 = tpu.vector_load %arg5[%get3A_1182, %get3A_1183] {strides = array<i32>} : memref<8x1024xf32, #tpu.memory_space<vmem>>, vector<1x16xf32>,
    %get3A_1185 = vector.shape_cast %get3A_1184 : vector<1x16xf32> to vector<16xf32>
    %get3A_1186 = arith.index_cast %select_n3A_811 : i32 to index
    %get3A_1187 = arith.constant 512 : index
    %get3A_1188 = tpu.vector_load %arg6[%get3A_1186, %get3A_1187] {strides = array<i32>} : memref<8x1024xf32, #tpu.memory_space<vmem>>, vector<1x16xf32>,
    %get3A_1189 = vector.shape_cast %get3A_1188 : vector<1x16xf32> to vector<16xf32>
    %mul3A_1190 = arith.mulf %get3A_1185, %get3A_1189 : vector<16xf32>
    %add3A_1191 = arith.addf %broadcast_in_dim3A_1181, %mul3A_1190 : vector<16xf32>
    %get3A_1192 = arith.index_cast %select_n3A_795 : i32 to index
    %get3A_1193 = arith.constant 528 : index
    %get3A_1194 = tpu.vector_load %arg5[%get3A_1192, %get3A_1193] {strides = array<i32>} : memref<8x1024xf32, #tpu.memory_space<vmem>>, vector<1x16xf32>,
    %get3A_1195 = vector.shape_cast %get3A_1194 : vector<1x16xf32> to vector<16xf32>
    %get3A_1196 = arith.index_cast %select_n3A_811 : i32 to index
    %get3A_1197 = arith.constant 528 : index
    %get3A_1198 = tpu.vector_load %arg6[%get3A_1196, %get3A_1197] {strides = array<i32>} : memref<8x1024xf32, #tpu.memory_space<vmem>>, vector<1x16xf32>,
    %get3A_1199 = vector.shape_cast %get3A_1198 : vector<1x16xf32> to vector<16xf32>
    %mul3A_1200 = arith.mulf %get3A_1195, %get3A_1199 : vector<16xf32>
    %add3A_1201 = arith.addf %add3A_1191, %mul3A_1200 : vector<16xf32>
    %get3A_1202 = arith.index_cast %select_n3A_795 : i32 to index
    %get3A_1203 = arith.constant 544 : index
    %get3A_1204 = tpu.vector_load %arg5[%get3A_1202, %get3A_1203] {strides = array<i32>} : memref<8x1024xf32, #tpu.memory_space<vmem>>, vector<1x16xf32>,
    %get3A_1205 = vector.shape_cast %get3A_1204 : vector<1x16xf32> to vector<16xf32>
    %get3A_1206 = arith.index_cast %select_n3A_811 : i32 to index
    %get3A_1207 = arith.constant 544 : index
    %get3A_1208 = tpu.vector_load %arg6[%get3A_1206, %get3A_1207] {strides = array<i32>} : memref<8x1024xf32, #tpu.memory_space<vmem>>, vector<1x16xf32>,
    %get3A_1209 = vector.shape_cast %get3A_1208 : vector<1x16xf32> to vector<16xf32>
    %mul3A_1210 = arith.mulf %get3A_1205, %get3A_1209 : vector<16xf32>
    %add3A_1211 = arith.addf %add3A_1201, %mul3A_1210 : vector<16xf32>
    %get3A_1212 = arith.index_cast %select_n3A_795 : i32 to index
    %get3A_1213 = arith.constant 560 : index
    %get3A_1214 = tpu.vector_load %arg5[%get3A_1212, %get3A_1213] {strides = array<i32>} : memref<8x1024xf32, #tpu.memory_space<vmem>>, vector<1x16xf32>,
    %get3A_1215 = vector.shape_cast %get3A_1214 : vector<1x16xf32> to vector<16xf32>
    %get3A_1216 = arith.index_cast %select_n3A_811 : i32 to index
    %get3A_1217 = arith.constant 560 : index
    %get3A_1218 = tpu.vector_load %arg6[%get3A_1216, %get3A_1217] {strides = array<i32>} : memref<8x1024xf32, #tpu.memory_space<vmem>>, vector<1x16xf32>,
    %get3A_1219 = vector.shape_cast %get3A_1218 : vector<1x16xf32> to vector<16xf32>
    %mul3A_1220 = arith.mulf %get3A_1215, %get3A_1219 : vector<16xf32>
    %add3A_1221 = arith.addf %add3A_1211, %mul3A_1220 : vector<16xf32>
    %swap3A_1222 = arith.constant 384 : index
    %swap3A_1223 = tpu.vector_load %arg7[%swap3A_1222] {strides = array<i32>} : memref<512xf32, #tpu.memory_space<vmem>>, vector<16xf32>,
    %swap3A_1224 = vector.shape_cast %swap3A_1223 : vector<16xf32> to vector<16xf32>
    %swap3A_1225 = vector.shape_cast %add3A_1221 : vector<16xf32> to vector<16xf32>
    tpu.vector_store %arg7[%swap3A_1222], %swap3A_1225 {strides = array<i32>} : memref<512xf32, #tpu.memory_space<vmem>>, vector<16xf32>,
    %broadcast_in_dim3A_1226 = arith.constant 0.000000e+00 : f32
    %broadcast_in_dim3A_1227 = vector.broadcast %broadcast_in_dim3A_1226 : f32 to vector<16xf32>
    %get3A_1228 = arith.index_cast %select_n3A_795 : i32 to index
    %get3A_1229 = arith.constant 576 : index
    %get3A_1230 = tpu.vector_load %arg5[%get3A_1228, %get3A_1229] {strides = array<i32>} : memref<8x1024xf32, #tpu.memory_space<vmem>>, vector<1x16xf32>,
    %get3A_1231 = vector.shape_cast %get3A_1230 : vector<1x16xf32> to vector<16xf32>
    %get3A_1232 = arith.index_cast %select_n3A_811 : i32 to index
    %get3A_1233 = arith.constant 576 : index
    %get3A_1234 = tpu.vector_load %arg6[%get3A_1232, %get3A_1233] {strides = array<i32>} : memref<8x1024xf32, #tpu.memory_space<vmem>>, vector<1x16xf32>,
    %get3A_1235 = vector.shape_cast %get3A_1234 : vector<1x16xf32> to vector<16xf32>
    %mul3A_1236 = arith.mulf %get3A_1231, %get3A_1235 : vector<16xf32>
    %add3A_1237 = arith.addf %broadcast_in_dim3A_1227, %mul3A_1236 : vector<16xf32>
    %get3A_1238 = arith.index_cast %select_n3A_795 : i32 to index
    %get3A_1239 = arith.constant 592 : index
    %get3A_1240 = tpu.vector_load %arg5[%get3A_1238, %get3A_1239] {strides = array<i32>} : memref<8x1024xf32, #tpu.memory_space<vmem>>, vector<1x16xf32>,
    %get3A_1241 = vector.shape_cast %get3A_1240 : vector<1x16xf32> to vector<16xf32>
    %get3A_1242 = arith.index_cast %select_n3A_811 : i32 to index
    %get3A_1243 = arith.constant 592 : index
    %get3A_1244 = tpu.vector_load %arg6[%get3A_1242, %get3A_1243] {strides = array<i32>} : memref<8x1024xf32, #tpu.memory_space<vmem>>, vector<1x16xf32>,
    %get3A_1245 = vector.shape_cast %get3A_1244 : vector<1x16xf32> to vector<16xf32>
    %mul3A_1246 = arith.mulf %get3A_1241, %get3A_1245 : vector<16xf32>
    %add3A_1247 = arith.addf %add3A_1237, %mul3A_1246 : vector<16xf32>
    %get3A_1248 = arith.index_cast %select_n3A_795 : i32 to index
    %get3A_1249 = arith.constant 608 : index
    %get3A_1250 = tpu.vector_load %arg5[%get3A_1248, %get3A_1249] {strides = array<i32>} : memref<8x1024xf32, #tpu.memory_space<vmem>>, vector<1x16xf32>,
    %get3A_1251 = vector.shape_cast %get3A_1250 : vector<1x16xf32> to vector<16xf32>
    %get3A_1252 = arith.index_cast %select_n3A_811 : i32 to index
    %get3A_1253 = arith.constant 608 : index
    %get3A_1254 = tpu.vector_load %arg6[%get3A_1252, %get3A_1253] {strides = array<i32>} : memref<8x1024xf32, #tpu.memory_space<vmem>>, vector<1x16xf32>,
    %get3A_1255 = vector.shape_cast %get3A_1254 : vector<1x16xf32> to vector<16xf32>
    %mul3A_1256 = arith.mulf %get3A_1251, %get3A_1255 : vector<16xf32>
    %add3A_1257 = arith.addf %add3A_1247, %mul3A_1256 : vector<16xf32>
    %get3A_1258 = arith.index_cast %select_n3A_795 : i32 to index
    %get3A_1259 = arith.constant 624 : index
    %get3A_1260 = tpu.vector_load %arg5[%get3A_1258, %get3A_1259] {strides = array<i32>} : memref<8x1024xf32, #tpu.memory_space<vmem>>, vector<1x16xf32>,
    %get3A_1261 = vector.shape_cast %get3A_1260 : vector<1x16xf32> to vector<16xf32>
    %get3A_1262 = arith.index_cast %select_n3A_811 : i32 to index
    %get3A_1263 = arith.constant 624 : index
    %get3A_1264 = tpu.vector_load %arg6[%get3A_1262, %get3A_1263] {strides = array<i32>} : memref<8x1024xf32, #tpu.memory_space<vmem>>, vector<1x16xf32>,
    %get3A_1265 = vector.shape_cast %get3A_1264 : vector<1x16xf32> to vector<16xf32>
    %mul3A_1266 = arith.mulf %get3A_1261, %get3A_1265 : vector<16xf32>
    %add3A_1267 = arith.addf %add3A_1257, %mul3A_1266 : vector<16xf32>
    %swap3A_1268 = arith.constant 400 : index
    %swap3A_1269 = tpu.vector_load %arg7[%swap3A_1268] {strides = array<i32>} : memref<512xf32, #tpu.memory_space<vmem>>, vector<16xf32>,
    %swap3A_1270 = vector.shape_cast %swap3A_1269 : vector<16xf32> to vector<16xf32>
    %swap3A_1271 = vector.shape_cast %add3A_1267 : vector<16xf32> to vector<16xf32>
    tpu.vector_store %arg7[%swap3A_1268], %swap3A_1271 {strides = array<i32>} : memref<512xf32, #tpu.memory_space<vmem>>, vector<16xf32>,
    %broadcast_in_dim3A_1272 = arith.constant 0.000000e+00 : f32
    %broadcast_in_dim3A_1273 = vector.broadcast %broadcast_in_dim3A_1272 : f32 to vector<16xf32>
    %get3A_1274 = arith.index_cast %select_n3A_795 : i32 to index
    %get3A_1275 = arith.constant 640 : index
    %get3A_1276 = tpu.vector_load %arg5[%get3A_1274, %get3A_1275] {strides = array<i32>} : memref<8x1024xf32, #tpu.memory_space<vmem>>, vector<1x16xf32>,
    %get3A_1277 = vector.shape_cast %get3A_1276 : vector<1x16xf32> to vector<16xf32>
    %get3A_1278 = arith.index_cast %select_n3A_811 : i32 to index
    %get3A_1279 = arith.constant 640 : index
    %get3A_1280 = tpu.vector_load %arg6[%get3A_1278, %get3A_1279] {strides = array<i32>} : memref<8x1024xf32, #tpu.memory_space<vmem>>, vector<1x16xf32>,
    %get3A_1281 = vector.shape_cast %get3A_1280 : vector<1x16xf32> to vector<16xf32>
    %mul3A_1282 = arith.mulf %get3A_1277, %get3A_1281 : vector<16xf32>
    %add3A_1283 = arith.addf %broadcast_in_dim3A_1273, %mul3A_1282 : vector<16xf32>
    %get3A_1284 = arith.index_cast %select_n3A_795 : i32 to index
    %get3A_1285 = arith.constant 656 : index
    %get3A_1286 = tpu.vector_load %arg5[%get3A_1284, %get3A_1285] {strides = array<i32>} : memref<8x1024xf32, #tpu.memory_space<vmem>>, vector<1x16xf32>,
    %get3A_1287 = vector.shape_cast %get3A_1286 : vector<1x16xf32> to vector<16xf32>
    %get3A_1288 = arith.index_cast %select_n3A_811 : i32 to index
    %get3A_1289 = arith.constant 656 : index
    %get3A_1290 = tpu.vector_load %arg6[%get3A_1288, %get3A_1289] {strides = array<i32>} : memref<8x1024xf32, #tpu.memory_space<vmem>>, vector<1x16xf32>,
    %get3A_1291 = vector.shape_cast %get3A_1290 : vector<1x16xf32> to vector<16xf32>
    %mul3A_1292 = arith.mulf %get3A_1287, %get3A_1291 : vector<16xf32>
    %add3A_1293 = arith.addf %add3A_1283, %mul3A_1292 : vector<16xf32>
    %get3A_1294 = arith.index_cast %select_n3A_795 : i32 to index
    %get3A_1295 = arith.constant 672 : index
    %get3A_1296 = tpu.vector_load %arg5[%get3A_1294, %get3A_1295] {strides = array<i32>} : memref<8x1024xf32, #tpu.memory_space<vmem>>, vector<1x16xf32>,
    %get3A_1297 = vector.shape_cast %get3A_1296 : vector<1x16xf32> to vector<16xf32>
    %get3A_1298 = arith.index_cast %select_n3A_811 : i32 to index
    %get3A_1299 = arith.constant 672 : index
    %get3A_1300 = tpu.vector_load %arg6[%get3A_1298, %get3A_1299] {strides = array<i32>} : memref<8x1024xf32, #tpu.memory_space<vmem>>, vector<1x16xf32>,
    %get3A_1301 = vector.shape_cast %get3A_1300 : vector<1x16xf32> to vector<16xf32>
    %mul3A_1302 = arith.mulf %get3A_1297, %get3A_1301 : vector<16xf32>
    %add3A_1303 = arith.addf %add3A_1293, %mul3A_1302 : vector<16xf32>
    %get3A_1304 = arith.index_cast %select_n3A_795 : i32 to index
    %get3A_1305 = arith.constant 688 : index
    %get3A_1306 = tpu.vector_load %arg5[%get3A_1304, %get3A_1305] {strides = array<i32>} : memref<8x1024xf32, #tpu.memory_space<vmem>>, vector<1x16xf32>,
    %get3A_1307 = vector.shape_cast %get3A_1306 : vector<1x16xf32> to vector<16xf32>
    %get3A_1308 = arith.index_cast %select_n3A_811 : i32 to index
    %get3A_1309 = arith.constant 688 : index
    %get3A_1310 = tpu.vector_load %arg6[%get3A_1308, %get3A_1309] {strides = array<i32>} : memref<8x1024xf32, #tpu.memory_space<vmem>>, vector<1x16xf32>,
    %get3A_1311 = vector.shape_cast %get3A_1310 : vector<1x16xf32> to vector<16xf32>
    %mul3A_1312 = arith.mulf %get3A_1307, %get3A_1311 : vector<16xf32>
    %add3A_1313 = arith.addf %add3A_1303, %mul3A_1312 : vector<16xf32>
    %swap3A_1314 = arith.constant 416 : index
    %swap3A_1315 = tpu.vector_load %arg7[%swap3A_1314] {strides = array<i32>} : memref<512xf32, #tpu.memory_space<vmem>>, vector<16xf32>,
    %swap3A_1316 = vector.shape_cast %swap3A_1315 : vector<16xf32> to vector<16xf32>
    %swap3A_1317 = vector.shape_cast %add3A_1313 : vector<16xf32> to vector<16xf32>
    tpu.vector_store %arg7[%swap3A_1314], %swap3A_1317 {strides = array<i32>} : memref<512xf32, #tpu.memory_space<vmem>>, vector<16xf32>,
    %broadcast_in_dim3A_1318 = arith.constant 0.000000e+00 : f32
    %broadcast_in_dim3A_1319 = vector.broadcast %broadcast_in_dim3A_1318 : f32 to vector<16xf32>
    %get3A_1320 = arith.index_cast %select_n3A_795 : i32 to index
    %get3A_1321 = arith.constant 704 : index
    %get3A_1322 = tpu.vector_load %arg5[%get3A_1320, %get3A_1321] {strides = array<i32>} : memref<8x1024xf32, #tpu.memory_space<vmem>>, vector<1x16xf32>,
    %get3A_1323 = vector.shape_cast %get3A_1322 : vector<1x16xf32> to vector<16xf32>
    %get3A_1324 = arith.index_cast %select_n3A_811 : i32 to index
    %get3A_1325 = arith.constant 704 : index
    %get3A_1326 = tpu.vector_load %arg6[%get3A_1324, %get3A_1325] {strides = array<i32>} : memref<8x1024xf32, #tpu.memory_space<vmem>>, vector<1x16xf32>,
    %get3A_1327 = vector.shape_cast %get3A_1326 : vector<1x16xf32> to vector<16xf32>
    %mul3A_1328 = arith.mulf %get3A_1323, %get3A_1327 : vector<16xf32>
    %add3A_1329 = arith.addf %broadcast_in_dim3A_1319, %mul3A_1328 : vector<16xf32>
    %get3A_1330 = arith.index_cast %select_n3A_795 : i32 to index
    %get3A_1331 = arith.constant 720 : index
    %get3A_1332 = tpu.vector_load %arg5[%get3A_1330, %get3A_1331] {strides = array<i32>} : memref<8x1024xf32, #tpu.memory_space<vmem>>, vector<1x16xf32>,
    %get3A_1333 = vector.shape_cast %get3A_1332 : vector<1x16xf32> to vector<16xf32>
    %get3A_1334 = arith.index_cast %select_n3A_811 : i32 to index
    %get3A_1335 = arith.constant 720 : index
    %get3A_1336 = tpu.vector_load %arg6[%get3A_1334, %get3A_1335] {strides = array<i32>} : memref<8x1024xf32, #tpu.memory_space<vmem>>, vector<1x16xf32>,
    %get3A_1337 = vector.shape_cast %get3A_1336 : vector<1x16xf32> to vector<16xf32>
    %mul3A_1338 = arith.mulf %get3A_1333, %get3A_1337 : vector<16xf32>
    %add3A_1339 = arith.addf %add3A_1329, %mul3A_1338 : vector<16xf32>
    %get3A_1340 = arith.index_cast %select_n3A_795 : i32 to index
    %get3A_1341 = arith.constant 736 : index
    %get3A_1342 = tpu.vector_load %arg5[%get3A_1340, %get3A_1341] {strides = array<i32>} : memref<8x1024xf32, #tpu.memory_space<vmem>>, vector<1x16xf32>,
    %get3A_1343 = vector.shape_cast %get3A_1342 : vector<1x16xf32> to vector<16xf32>
    %get3A_1344 = arith.index_cast %select_n3A_811 : i32 to index
    %get3A_1345 = arith.constant 736 : index
    %get3A_1346 = tpu.vector_load %arg6[%get3A_1344, %get3A_1345] {strides = array<i32>} : memref<8x1024xf32, #tpu.memory_space<vmem>>, vector<1x16xf32>,
    %get3A_1347 = vector.shape_cast %get3A_1346 : vector<1x16xf32> to vector<16xf32>
    %mul3A_1348 = arith.mulf %get3A_1343, %get3A_1347 : vector<16xf32>
    %add3A_1349 = arith.addf %add3A_1339, %mul3A_1348 : vector<16xf32>
    %get3A_1350 = arith.index_cast %select_n3A_795 : i32 to index
    %get3A_1351 = arith.constant 752 : index
    %get3A_1352 = tpu.vector_load %arg5[%get3A_1350, %get3A_1351] {strides = array<i32>} : memref<8x1024xf32, #tpu.memory_space<vmem>>, vector<1x16xf32>,
    %get3A_1353 = vector.shape_cast %get3A_1352 : vector<1x16xf32> to vector<16xf32>
    %get3A_1354 = arith.index_cast %select_n3A_811 : i32 to index
    %get3A_1355 = arith.constant 752 : index
    %get3A_1356 = tpu.vector_load %arg6[%get3A_1354, %get3A_1355] {strides = array<i32>} : memref<8x1024xf32, #tpu.memory_space<vmem>>, vector<1x16xf32>,
    %get3A_1357 = vector.shape_cast %get3A_1356 : vector<1x16xf32> to vector<16xf32>
    %mul3A_1358 = arith.mulf %get3A_1353, %get3A_1357 : vector<16xf32>
    %add3A_1359 = arith.addf %add3A_1349, %mul3A_1358 : vector<16xf32>
    %swap3A_1360 = arith.constant 432 : index
    %swap3A_1361 = tpu.vector_load %arg7[%swap3A_1360] {strides = array<i32>} : memref<512xf32, #tpu.memory_space<vmem>>, vector<16xf32>,
    %swap3A_1362 = vector.shape_cast %swap3A_1361 : vector<16xf32> to vector<16xf32>
    %swap3A_1363 = vector.shape_cast %add3A_1359 : vector<16xf32> to vector<16xf32>
    tpu.vector_store %arg7[%swap3A_1360], %swap3A_1363 {strides = array<i32>} : memref<512xf32, #tpu.memory_space<vmem>>, vector<16xf32>,
    %broadcast_in_dim3A_1364 = arith.constant 0.000000e+00 : f32
    %broadcast_in_dim3A_1365 = vector.broadcast %broadcast_in_dim3A_1364 : f32 to vector<16xf32>
    %get3A_1366 = arith.index_cast %select_n3A_795 : i32 to index
    %get3A_1367 = arith.constant 768 : index
    %get3A_1368 = tpu.vector_load %arg5[%get3A_1366, %get3A_1367] {strides = array<i32>} : memref<8x1024xf32, #tpu.memory_space<vmem>>, vector<1x16xf32>,
    %get3A_1369 = vector.shape_cast %get3A_1368 : vector<1x16xf32> to vector<16xf32>
    %get3A_1370 = arith.index_cast %select_n3A_811 : i32 to index
    %get3A_1371 = arith.constant 768 : index
    %get3A_1372 = tpu.vector_load %arg6[%get3A_1370, %get3A_1371] {strides = array<i32>} : memref<8x1024xf32, #tpu.memory_space<vmem>>, vector<1x16xf32>,
    %get3A_1373 = vector.shape_cast %get3A_1372 : vector<1x16xf32> to vector<16xf32>
    %mul3A_1374 = arith.mulf %get3A_1369, %get3A_1373 : vector<16xf32>
    %add3A_1375 = arith.addf %broadcast_in_dim3A_1365, %mul3A_1374 : vector<16xf32>
    %get3A_1376 = arith.index_cast %select_n3A_795 : i32 to index
    %get3A_1377 = arith.constant 784 : index
    %get3A_1378 = tpu.vector_load %arg5[%get3A_1376, %get3A_1377] {strides = array<i32>} : memref<8x1024xf32, #tpu.memory_space<vmem>>, vector<1x16xf32>,
    %get3A_1379 = vector.shape_cast %get3A_1378 : vector<1x16xf32> to vector<16xf32>
    %get3A_1380 = arith.index_cast %select_n3A_811 : i32 to index
    %get3A_1381 = arith.constant 784 : index
    %get3A_1382 = tpu.vector_load %arg6[%get3A_1380, %get3A_1381] {strides = array<i32>} : memref<8x1024xf32, #tpu.memory_space<vmem>>, vector<1x16xf32>,
    %get3A_1383 = vector.shape_cast %get3A_1382 : vector<1x16xf32> to vector<16xf32>
    %mul3A_1384 = arith.mulf %get3A_1379, %get3A_1383 : vector<16xf32>
    %add3A_1385 = arith.addf %add3A_1375, %mul3A_1384 : vector<16xf32>
    %get3A_1386 = arith.index_cast %select_n3A_795 : i32 to index
    %get3A_1387 = arith.constant 800 : index
    %get3A_1388 = tpu.vector_load %arg5[%get3A_1386, %get3A_1387] {strides = array<i32>} : memref<8x1024xf32, #tpu.memory_space<vmem>>, vector<1x16xf32>,
    %get3A_1389 = vector.shape_cast %get3A_1388 : vector<1x16xf32> to vector<16xf32>
    %get3A_1390 = arith.index_cast %select_n3A_811 : i32 to index
    %get3A_1391 = arith.constant 800 : index
    %get3A_1392 = tpu.vector_load %arg6[%get3A_1390, %get3A_1391] {strides = array<i32>} : memref<8x1024xf32, #tpu.memory_space<vmem>>, vector<1x16xf32>,
    %get3A_1393 = vector.shape_cast %get3A_1392 : vector<1x16xf32> to vector<16xf32>
    %mul3A_1394 = arith.mulf %get3A_1389, %get3A_1393 : vector<16xf32>
    %add3A_1395 = arith.addf %add3A_1385, %mul3A_1394 : vector<16xf32>
    %get3A_1396 = arith.index_cast %select_n3A_795 : i32 to index
    %get3A_1397 = arith.constant 816 : index
    %get3A_1398 = tpu.vector_load %arg5[%get3A_1396, %get3A_1397] {strides = array<i32>} : memref<8x1024xf32, #tpu.memory_space<vmem>>, vector<1x16xf32>,
    %get3A_1399 = vector.shape_cast %get3A_1398 : vector<1x16xf32> to vector<16xf32>
    %get3A_1400 = arith.index_cast %select_n3A_811 : i32 to index
    %get3A_1401 = arith.constant 816 : index
    %get3A_1402 = tpu.vector_load %arg6[%get3A_1400, %get3A_1401] {strides = array<i32>} : memref<8x1024xf32, #tpu.memory_space<vmem>>, vector<1x16xf32>,
    %get3A_1403 = vector.shape_cast %get3A_1402 : vector<1x16xf32> to vector<16xf32>
    %mul3A_1404 = arith.mulf %get3A_1399, %get3A_1403 : vector<16xf32>
    %add3A_1405 = arith.addf %add3A_1395, %mul3A_1404 : vector<16xf32>
    %swap3A_1406 = arith.constant 448 : index
    %swap3A_1407 = tpu.vector_load %arg7[%swap3A_1406] {strides = array<i32>} : memref<512xf32, #tpu.memory_space<vmem>>, vector<16xf32>,
    %swap3A_1408 = vector.shape_cast %swap3A_1407 : vector<16xf32> to vector<16xf32>
    %swap3A_1409 = vector.shape_cast %add3A_1405 : vector<16xf32> to vector<16xf32>
    tpu.vector_store %arg7[%swap3A_1406], %swap3A_1409 {strides = array<i32>} : memref<512xf32, #tpu.memory_space<vmem>>, vector<16xf32>,
    %broadcast_in_dim3A_1410 = arith.constant 0.000000e+00 : f32
    %broadcast_in_dim3A_1411 = vector.broadcast %broadcast_in_dim3A_1410 : f32 to vector<16xf32>
    %get3A_1412 = arith.index_cast %select_n3A_795 : i32 to index
    %get3A_1413 = arith.constant 832 : index
    %get3A_1414 = tpu.vector_load %arg5[%get3A_1412, %get3A_1413] {strides = array<i32>} : memref<8x1024xf32, #tpu.memory_space<vmem>>, vector<1x16xf32>,
    %get3A_1415 = vector.shape_cast %get3A_1414 : vector<1x16xf32> to vector<16xf32>
    %get3A_1416 = arith.index_cast %select_n3A_811 : i32 to index
    %get3A_1417 = arith.constant 832 : index
    %get3A_1418 = tpu.vector_load %arg6[%get3A_1416, %get3A_1417] {strides = array<i32>} : memref<8x1024xf32, #tpu.memory_space<vmem>>, vector<1x16xf32>,
    %get3A_1419 = vector.shape_cast %get3A_1418 : vector<1x16xf32> to vector<16xf32>
    %mul3A_1420 = arith.mulf %get3A_1415, %get3A_1419 : vector<16xf32>
    %add3A_1421 = arith.addf %broadcast_in_dim3A_1411, %mul3A_1420 : vector<16xf32>
    %get3A_1422 = arith.index_cast %select_n3A_795 : i32 to index
    %get3A_1423 = arith.constant 848 : index
    %get3A_1424 = tpu.vector_load %arg5[%get3A_1422, %get3A_1423] {strides = array<i32>} : memref<8x1024xf32, #tpu.memory_space<vmem>>, vector<1x16xf32>,
    %get3A_1425 = vector.shape_cast %get3A_1424 : vector<1x16xf32> to vector<16xf32>
    %get3A_1426 = arith.index_cast %select_n3A_811 : i32 to index
    %get3A_1427 = arith.constant 848 : index
    %get3A_1428 = tpu.vector_load %arg6[%get3A_1426, %get3A_1427] {strides = array<i32>} : memref<8x1024xf32, #tpu.memory_space<vmem>>, vector<1x16xf32>,
    %get3A_1429 = vector.shape_cast %get3A_1428 : vector<1x16xf32> to vector<16xf32>
    %mul3A_1430 = arith.mulf %get3A_1425, %get3A_1429 : vector<16xf32>
    %add3A_1431 = arith.addf %add3A_1421, %mul3A_1430 : vector<16xf32>
    %get3A_1432 = arith.index_cast %select_n3A_795 : i32 to index
    %get3A_1433 = arith.constant 864 : index
    %get3A_1434 = tpu.vector_load %arg5[%get3A_1432, %get3A_1433] {strides = array<i32>} : memref<8x1024xf32, #tpu.memory_space<vmem>>, vector<1x16xf32>,
    %get3A_1435 = vector.shape_cast %get3A_1434 : vector<1x16xf32> to vector<16xf32>
    %get3A_1436 = arith.index_cast %select_n3A_811 : i32 to index
    %get3A_1437 = arith.constant 864 : index
    %get3A_1438 = tpu.vector_load %arg6[%get3A_1436, %get3A_1437] {strides = array<i32>} : memref<8x1024xf32, #tpu.memory_space<vmem>>, vector<1x16xf32>,
    %get3A_1439 = vector.shape_cast %get3A_1438 : vector<1x16xf32> to vector<16xf32>
    %mul3A_1440 = arith.mulf %get3A_1435, %get3A_1439 : vector<16xf32>
    %add3A_1441 = arith.addf %add3A_1431, %mul3A_1440 : vector<16xf32>
    %get3A_1442 = arith.index_cast %select_n3A_795 : i32 to index
    %get3A_1443 = arith.constant 880 : index
    %get3A_1444 = tpu.vector_load %arg5[%get3A_1442, %get3A_1443] {strides = array<i32>} : memref<8x1024xf32, #tpu.memory_space<vmem>>, vector<1x16xf32>,
    %get3A_1445 = vector.shape_cast %get3A_1444 : vector<1x16xf32> to vector<16xf32>
    %get3A_1446 = arith.index_cast %select_n3A_811 : i32 to index
    %get3A_1447 = arith.constant 880 : index
    %get3A_1448 = tpu.vector_load %arg6[%get3A_1446, %get3A_1447] {strides = array<i32>} : memref<8x1024xf32, #tpu.memory_space<vmem>>, vector<1x16xf32>,
    %get3A_1449 = vector.shape_cast %get3A_1448 : vector<1x16xf32> to vector<16xf32>
    %mul3A_1450 = arith.mulf %get3A_1445, %get3A_1449 : vector<16xf32>
    %add3A_1451 = arith.addf %add3A_1441, %mul3A_1450 : vector<16xf32>
    %swap3A_1452 = arith.constant 464 : index
    %swap3A_1453 = tpu.vector_load %arg7[%swap3A_1452] {strides = array<i32>} : memref<512xf32, #tpu.memory_space<vmem>>, vector<16xf32>,
    %swap3A_1454 = vector.shape_cast %swap3A_1453 : vector<16xf32> to vector<16xf32>
    %swap3A_1455 = vector.shape_cast %add3A_1451 : vector<16xf32> to vector<16xf32>
    tpu.vector_store %arg7[%swap3A_1452], %swap3A_1455 {strides = array<i32>} : memref<512xf32, #tpu.memory_space<vmem>>, vector<16xf32>,
    %broadcast_in_dim3A_1456 = arith.constant 0.000000e+00 : f32
    %broadcast_in_dim3A_1457 = vector.broadcast %broadcast_in_dim3A_1456 : f32 to vector<16xf32>
    %get3A_1458 = arith.index_cast %select_n3A_795 : i32 to index
    %get3A_1459 = arith.constant 896 : index
    %get3A_1460 = tpu.vector_load %arg5[%get3A_1458, %get3A_1459] {strides = array<i32>} : memref<8x1024xf32, #tpu.memory_space<vmem>>, vector<1x16xf32>,
    %get3A_1461 = vector.shape_cast %get3A_1460 : vector<1x16xf32> to vector<16xf32>
    %get3A_1462 = arith.index_cast %select_n3A_811 : i32 to index
    %get3A_1463 = arith.constant 896 : index
    %get3A_1464 = tpu.vector_load %arg6[%get3A_1462, %get3A_1463] {strides = array<i32>} : memref<8x1024xf32, #tpu.memory_space<vmem>>, vector<1x16xf32>,
    %get3A_1465 = vector.shape_cast %get3A_1464 : vector<1x16xf32> to vector<16xf32>
    %mul3A_1466 = arith.mulf %get3A_1461, %get3A_1465 : vector<16xf32>
    %add3A_1467 = arith.addf %broadcast_in_dim3A_1457, %mul3A_1466 : vector<16xf32>
    %get3A_1468 = arith.index_cast %select_n3A_795 : i32 to index
    %get3A_1469 = arith.constant 912 : index
    %get3A_1470 = tpu.vector_load %arg5[%get3A_1468, %get3A_1469] {strides = array<i32>} : memref<8x1024xf32, #tpu.memory_space<vmem>>, vector<1x16xf32>,
    %get3A_1471 = vector.shape_cast %get3A_1470 : vector<1x16xf32> to vector<16xf32>
    %get3A_1472 = arith.index_cast %select_n3A_811 : i32 to index
    %get3A_1473 = arith.constant 912 : index
    %get3A_1474 = tpu.vector_load %arg6[%get3A_1472, %get3A_1473] {strides = array<i32>} : memref<8x1024xf32, #tpu.memory_space<vmem>>, vector<1x16xf32>,
    %get3A_1475 = vector.shape_cast %get3A_1474 : vector<1x16xf32> to vector<16xf32>
    %mul3A_1476 = arith.mulf %get3A_1471, %get3A_1475 : vector<16xf32>
    %add3A_1477 = arith.addf %add3A_1467, %mul3A_1476 : vector<16xf32>
    %get3A_1478 = arith.index_cast %select_n3A_795 : i32 to index
    %get3A_1479 = arith.constant 928 : index
    %get3A_1480 = tpu.vector_load %arg5[%get3A_1478, %get3A_1479] {strides = array<i32>} : memref<8x1024xf32, #tpu.memory_space<vmem>>, vector<1x16xf32>,
    %get3A_1481 = vector.shape_cast %get3A_1480 : vector<1x16xf32> to vector<16xf32>
    %get3A_1482 = arith.index_cast %select_n3A_811 : i32 to index
    %get3A_1483 = arith.constant 928 : index
    %get3A_1484 = tpu.vector_load %arg6[%get3A_1482, %get3A_1483] {strides = array<i32>} : memref<8x1024xf32, #tpu.memory_space<vmem>>, vector<1x16xf32>,
    %get3A_1485 = vector.shape_cast %get3A_1484 : vector<1x16xf32> to vector<16xf32>
    %mul3A_1486 = arith.mulf %get3A_1481, %get3A_1485 : vector<16xf32>
    %add3A_1487 = arith.addf %add3A_1477, %mul3A_1486 : vector<16xf32>
    %get3A_1488 = arith.index_cast %select_n3A_795 : i32 to index
    %get3A_1489 = arith.constant 944 : index
    %get3A_1490 = tpu.vector_load %arg5[%get3A_1488, %get3A_1489] {strides = array<i32>} : memref<8x1024xf32, #tpu.memory_space<vmem>>, vector<1x16xf32>,
    %get3A_1491 = vector.shape_cast %get3A_1490 : vector<1x16xf32> to vector<16xf32>
    %get3A_1492 = arith.index_cast %select_n3A_811 : i32 to index
    %get3A_1493 = arith.constant 944 : index
    %get3A_1494 = tpu.vector_load %arg6[%get3A_1492, %get3A_1493] {strides = array<i32>} : memref<8x1024xf32, #tpu.memory_space<vmem>>, vector<1x16xf32>,
    %get3A_1495 = vector.shape_cast %get3A_1494 : vector<1x16xf32> to vector<16xf32>
    %mul3A_1496 = arith.mulf %get3A_1491, %get3A_1495 : vector<16xf32>
    %add3A_1497 = arith.addf %add3A_1487, %mul3A_1496 : vector<16xf32>
    %swap3A_1498 = arith.constant 480 : index
    %swap3A_1499 = tpu.vector_load %arg7[%swap3A_1498] {strides = array<i32>} : memref<512xf32, #tpu.memory_space<vmem>>, vector<16xf32>,
    %swap3A_1500 = vector.shape_cast %swap3A_1499 : vector<16xf32> to vector<16xf32>
    %swap3A_1501 = vector.shape_cast %add3A_1497 : vector<16xf32> to vector<16xf32>
    tpu.vector_store %arg7[%swap3A_1498], %swap3A_1501 {strides = array<i32>} : memref<512xf32, #tpu.memory_space<vmem>>, vector<16xf32>,
    %broadcast_in_dim3A_1502 = arith.constant 0.000000e+00 : f32
    %broadcast_in_dim3A_1503 = vector.broadcast %broadcast_in_dim3A_1502 : f32 to vector<16xf32>
    %get3A_1504 = arith.index_cast %select_n3A_795 : i32 to index
    %get3A_1505 = arith.constant 960 : index
    %get3A_1506 = tpu.vector_load %arg5[%get3A_1504, %get3A_1505] {strides = array<i32>} : memref<8x1024xf32, #tpu.memory_space<vmem>>, vector<1x16xf32>,
    %get3A_1507 = vector.shape_cast %get3A_1506 : vector<1x16xf32> to vector<16xf32>
    %get3A_1508 = arith.index_cast %select_n3A_811 : i32 to index
    %get3A_1509 = arith.constant 960 : index
    %get3A_1510 = tpu.vector_load %arg6[%get3A_1508, %get3A_1509] {strides = array<i32>} : memref<8x1024xf32, #tpu.memory_space<vmem>>, vector<1x16xf32>,
    %get3A_1511 = vector.shape_cast %get3A_1510 : vector<1x16xf32> to vector<16xf32>
    %mul3A_1512 = arith.mulf %get3A_1507, %get3A_1511 : vector<16xf32>
    %add3A_1513 = arith.addf %broadcast_in_dim3A_1503, %mul3A_1512 : vector<16xf32>
    %get3A_1514 = arith.index_cast %select_n3A_795 : i32 to index
    %get3A_1515 = arith.constant 976 : index
    %get3A_1516 = tpu.vector_load %arg5[%get3A_1514, %get3A_1515] {strides = array<i32>} : memref<8x1024xf32, #tpu.memory_space<vmem>>, vector<1x16xf32>,
    %get3A_1517 = vector.shape_cast %get3A_1516 : vector<1x16xf32> to vector<16xf32>
    %get3A_1518 = arith.index_cast %select_n3A_811 : i32 to index
    %get3A_1519 = arith.constant 976 : index
    %get3A_1520 = tpu.vector_load %arg6[%get3A_1518, %get3A_1519] {strides = array<i32>} : memref<8x1024xf32, #tpu.memory_space<vmem>>, vector<1x16xf32>,
    %get3A_1521 = vector.shape_cast %get3A_1520 : vector<1x16xf32> to vector<16xf32>
    %mul3A_1522 = arith.mulf %get3A_1517, %get3A_1521 : vector<16xf32>
    %add3A_1523 = arith.addf %add3A_1513, %mul3A_1522 : vector<16xf32>
    %get3A_1524 = arith.index_cast %select_n3A_795 : i32 to index
    %get3A_1525 = arith.constant 992 : index
    %get3A_1526 = tpu.vector_load %arg5[%get3A_1524, %get3A_1525] {strides = array<i32>} : memref<8x1024xf32, #tpu.memory_space<vmem>>, vector<1x16xf32>,
    %get3A_1527 = vector.shape_cast %get3A_1526 : vector<1x16xf32> to vector<16xf32>
    %get3A_1528 = arith.index_cast %select_n3A_811 : i32 to index
    %get3A_1529 = arith.constant 992 : index
    %get3A_1530 = tpu.vector_load %arg6[%get3A_1528, %get3A_1529] {strides = array<i32>} : memref<8x1024xf32, #tpu.memory_space<vmem>>, vector<1x16xf32>,
    %get3A_1531 = vector.shape_cast %get3A_1530 : vector<1x16xf32> to vector<16xf32>
    %mul3A_1532 = arith.mulf %get3A_1527, %get3A_1531 : vector<16xf32>
    %add3A_1533 = arith.addf %add3A_1523, %mul3A_1532 : vector<16xf32>
    %get3A_1534 = arith.index_cast %select_n3A_795 : i32 to index
    %get3A_1535 = arith.constant 1008 : index
    %get3A_1536 = tpu.vector_load %arg5[%get3A_1534, %get3A_1535] {strides = array<i32>} : memref<8x1024xf32, #tpu.memory_space<vmem>>, vector<1x16xf32>,
    %get3A_1537 = vector.shape_cast %get3A_1536 : vector<1x16xf32> to vector<16xf32>
    %get3A_1538 = arith.index_cast %select_n3A_811 : i32 to index
    %get3A_1539 = arith.constant 1008 : index
    %get3A_1540 = tpu.vector_load %arg6[%get3A_1538, %get3A_1539] {strides = array<i32>} : memref<8x1024xf32, #tpu.memory_space<vmem>>, vector<1x16xf32>,
    %get3A_1541 = vector.shape_cast %get3A_1540 : vector<1x16xf32> to vector<16xf32>
    %mul3A_1542 = arith.mulf %get3A_1537, %get3A_1541 : vector<16xf32>
    %add3A_1543 = arith.addf %add3A_1533, %mul3A_1542 : vector<16xf32>
    %swap3A_1544 = arith.constant 496 : index
    %swap3A_1545 = tpu.vector_load %arg7[%swap3A_1544] {strides = array<i32>} : memref<512xf32, #tpu.memory_space<vmem>>, vector<16xf32>,
    %swap3A_1546 = vector.shape_cast %swap3A_1545 : vector<16xf32> to vector<16xf32>
    %swap3A_1547 = vector.shape_cast %add3A_1543 : vector<16xf32> to vector<16xf32>
    tpu.vector_store %arg7[%swap3A_1544], %swap3A_1547 {strides = array<i32>} : memref<512xf32, #tpu.memory_space<vmem>>, vector<16xf32>,
    %mul3A_1548 = arith.constant 512 : i32
    %mul3A_1549 = arith.muli %add3A, %mul3A_1548 : i32
    "tpu.region"() ({
      %run_scoped3A = tpu.sem_alloc : memref<!tpu.dma_semaphore, #tpu.memory_space<semaphore_mem>>
      %dma_start3A = tpu.memref_slice %arg4[%mul3A_1549] : memref<16384xf32, #tpu.memory_space<hbm>> -> memref<512xf32, #tpu.memory_space<hbm>>
      %dma_start3A_1550 = tpu.memref_slice %arg4[%mul3A_1549] : memref<16384xf32, #tpu.memory_space<hbm>> -> memref<512xf32, #tpu.memory_space<hbm>>
      tpu.enqueue_dma source(%arg7 : memref<512xf32, #tpu.memory_space<vmem>>) target(%dma_start3A_1550 : memref<512xf32, #tpu.memory_space<hbm>>) target_semaphore(%run_scoped3A : memref<!tpu.dma_semaphore, #tpu.memory_space<semaphore_mem>>)
      %dma_wait3A = tpu.memref_slice %arg4[%mul3A_1549] : memref<16384xf32, #tpu.memory_space<hbm>> -> memref<512xf32, #tpu.memory_space<hbm>>
      %dma_wait3A_1551 = tpu.memref_slice %arg4[%mul3A_1549] : memref<16384xf32, #tpu.memory_space<hbm>> -> memref<512xf32, #tpu.memory_space<hbm>>
      tpu.wait_dma2 semaphore(%run_scoped3A : memref<!tpu.dma_semaphore, #tpu.memory_space<semaphore_mem>>) src(%arg7 : memref<512xf32, #tpu.memory_space<vmem>>) dst(%dma_wait3A_1551 : memref<512xf32, #tpu.memory_space<hbm>>)
      tpu.yield
    }) : () -> ()
    return
  }
}

module attributes {stable_mosaic.version = 14 : i64} {
  func.func @_tc_reduce_body(%arg0: i32, %arg1: memref<8x1024xf32, #tpu.memory_space<vmem>>, %arg2: memref<2x1024x1024xf32, #tpu.memory_space<vmem>>, %arg3: memref<2x1x16xf32, #tpu.memory_space<vmem>>) attributes {dimension_semantics = [#tpu.dimension_semantics<arbitrary>], iteration_bounds = array<i64: 32>, scalar_prefetch = 0 : i64, scratch_operands = 0 : i64, tpu.core_type = #tpu.core_type<tc>, window_params = [{pipeline_mode = #tpu.pipeline_mode<synchronous>, transform_indices = @transform_0, window_bounds = array<i64: 8, 1024>}, {transform_indices = @transform_1, window_bounds = array<i64: 2, 1024, 1024>}, {transform_indices = @transform_2, window_bounds = array<i64: 2, 1, 16>}]} {
    %mul3A = arith.constant 2 : i32
    %mul3A_0 = arith.muli %arg0, %mul3A : i32
    %add3A = arith.constant 0 : i32
    %add3A_1 = arith.addi %mul3A_0, %add3A : i32
    %jit3A = arith.constant 8 : i32
    %div3A = arith.divsi %add3A_1, %jit3A : i32
    %sign3A = arith.constant 0 : i32
    %sign3A_2 = arith.cmpi sgt, %add3A_1, %sign3A : i32
    %sign3A_3 = arith.extui %sign3A_2 : i1 to i32
    %sign3A_4 = arith.constant 0 : i32
    %sign3A_5 = arith.cmpi slt, %add3A_1, %sign3A_4 : i32
    %sign3A_6 = arith.extui %sign3A_5 : i1 to i32
    %sign3A_7 = arith.subi %sign3A_3, %sign3A_6 : i32
    %sign3A_8 = arith.constant 0 : i32
    %sign3A_9 = arith.cmpi sgt, %jit3A, %sign3A_8 : i32
    %sign3A_10 = arith.extui %sign3A_9 : i1 to i32
    %sign3A_11 = arith.constant 0 : i32
    %sign3A_12 = arith.cmpi slt, %jit3A, %sign3A_11 : i32
    %sign3A_13 = arith.extui %sign3A_12 : i1 to i32
    %sign3A_14 = arith.subi %sign3A_10, %sign3A_13 : i32
    %ne3A = arith.cmpi ne, %sign3A_7, %sign3A_14 : i32
    %rem3A = arith.remsi %add3A_1, %jit3A : i32
    %ne3A_15 = arith.constant 0 : i32
    %ne3A_16 = arith.cmpi ne, %rem3A, %ne3A_15 : i32
    %and3A = arith.andi %ne3A, %ne3A_16 : i1
    %sub3A = arith.constant 1 : i32
    %sub3A_17 = arith.subi %div3A, %sub3A : i32
    %select_n3A = arith.select %and3A, %sub3A_17, %div3A : i32
    %get3A = arith.index_cast %select_n3A : i32 to index
    %get3A_18 = arith.constant 0 : index
    %get3A_19 = vector.load %arg1[%get3A, %get3A_18] : memref<8x1024xf32, #tpu.memory_space<vmem>>, vector<1x1024xf32>
    %get3A_20 = vector.shape_cast %get3A_19 : vector<1x1024xf32> to vector<1024xf32>
    %sign3A_21 = tpu.bitcast %get3A_20 : vector<1024xf32> -> vector<1024xi32>
    %sign3A_22 = arith.constant -2147483648 : i32
    %sign3A_23 = vector.broadcast %sign3A_22 : i32 to vector<1024xi32>
    %sign3A_24 = arith.andi %sign3A_21, %sign3A_23 : vector<1024xi32>
    %sign3A_25 = arith.constant 1065353216 : i32
    %sign3A_26 = vector.broadcast %sign3A_25 : i32 to vector<1024xi32>
    %sign3A_27 = arith.ori %sign3A_26, %sign3A_24 : vector<1024xi32>
    %sign3A_28 = tpu.bitcast %sign3A_27 : vector<1024xi32> -> vector<1024xf32>
    %sign3A_29 = math.absf %get3A_20 : vector<1024xf32>
    %sign3A_30 = arith.constant 0.000000e+00 : f32
    %sign3A_31 = vector.broadcast %sign3A_30 : f32 to vector<1024xf32>
    %sign3A_32 = arith.cmpf ogt, %sign3A_29, %sign3A_31 : vector<1024xf32>
    %sign3A_33 = arith.select %sign3A_32, %sign3A_28, %get3A_20 : vector<1024xi1>, vector<1024xf32>
    %get3A_34 = arith.constant 0 : index
    %get3A_35 = arith.constant 0 : index
    %get3A_36 = arith.constant 0 : index
    %get3A_37 = vector.load %arg2[%get3A_34, %get3A_35, %get3A_36] : memref<2x1024x1024xf32, #tpu.memory_space<vmem>>, vector<1x1024x1024xf32>
    %get3A_38 = vector.shape_cast %get3A_37 : vector<1x1024x1024xf32> to vector<1024x1024xf32>
    %broadcast_in_dim3A = vector.shape_cast %sign3A_33 : vector<1024xf32> to vector<1x1024xf32>
    %mul3A_39 = vector.broadcast %broadcast_in_dim3A : vector<1x1024xf32> to vector<1024x1024xf32>
    %mul3A_40 = arith.mulf %get3A_38, %mul3A_39 : vector<1024x1024xf32>
    %max3A = arith.constant 0.000000e+00 : f32
    %max3A_41 = vector.broadcast %max3A : f32 to vector<1024x1024xf32>
    %max3A_42 = arith.maximumf %mul3A_40, %max3A_41 : vector<1024x1024xf32>
    %reshape3A = vector.shape_cast %max3A_42 : vector<1024x1024xf32> to vector<16x64x1024xf32>
    %reduce_sum3A = arith.constant dense<0.000000e+00> : vector<16xf32>
    %reduce_sum3A_43 = vector.multi_reduction <add>, %reshape3A, %reduce_sum3A [1, 2] : vector<16x64x1024xf32> to vector<16xf32>
    %swap3A = arith.constant 0 : index
    %swap3A_44 = arith.constant 0 : index
    %swap3A_45 = arith.constant 0 : index
    %swap3A_46 = vector.load %arg3[%swap3A, %swap3A_44, %swap3A_45] : memref<2x1x16xf32, #tpu.memory_space<vmem>>, vector<1x1x16xf32>
    %swap3A_47 = vector.shape_cast %swap3A_46 : vector<1x1x16xf32> to vector<16xf32>
    %swap3A_48 = vector.shape_cast %reduce_sum3A_43 : vector<16xf32> to vector<1x1x16xf32>
    tpu.vector_store %arg3[%swap3A, %swap3A_44, %swap3A_45], %swap3A_48 {strides = array<i32>} : memref<2x1x16xf32, #tpu.memory_space<vmem>>, vector<1x1x16xf32>,
    %mul3A_49 = arith.constant 2 : i32
    %mul3A_50 = arith.muli %arg0, %mul3A_49 : i32
    %add3A_51 = arith.constant 1 : i32
    %add3A_52 = arith.addi %mul3A_50, %add3A_51 : i32
    %jit3A_53 = arith.constant 8 : i32
    %div3A_54 = arith.divsi %add3A_52, %jit3A_53 : i32
    %sign3A_55 = arith.constant 0 : i32
    %sign3A_56 = arith.cmpi sgt, %add3A_52, %sign3A_55 : i32
    %sign3A_57 = arith.extui %sign3A_56 : i1 to i32
    %sign3A_58 = arith.constant 0 : i32
    %sign3A_59 = arith.cmpi slt, %add3A_52, %sign3A_58 : i32
    %sign3A_60 = arith.extui %sign3A_59 : i1 to i32
    %sign3A_61 = arith.subi %sign3A_57, %sign3A_60 : i32
    %sign3A_62 = arith.constant 0 : i32
    %sign3A_63 = arith.cmpi sgt, %jit3A_53, %sign3A_62 : i32
    %sign3A_64 = arith.extui %sign3A_63 : i1 to i32
    %sign3A_65 = arith.constant 0 : i32
    %sign3A_66 = arith.cmpi slt, %jit3A_53, %sign3A_65 : i32
    %sign3A_67 = arith.extui %sign3A_66 : i1 to i32
    %sign3A_68 = arith.subi %sign3A_64, %sign3A_67 : i32
    %ne3A_69 = arith.cmpi ne, %sign3A_61, %sign3A_68 : i32
    %rem3A_70 = arith.remsi %add3A_52, %jit3A_53 : i32
    %ne3A_71 = arith.constant 0 : i32
    %ne3A_72 = arith.cmpi ne, %rem3A_70, %ne3A_71 : i32
    %and3A_73 = arith.andi %ne3A_69, %ne3A_72 : i1
    %sub3A_74 = arith.constant 1 : i32
    %sub3A_75 = arith.subi %div3A_54, %sub3A_74 : i32
    %select_n3A_76 = arith.select %and3A_73, %sub3A_75, %div3A_54 : i32
    %get3A_77 = arith.index_cast %select_n3A_76 : i32 to index
    %get3A_78 = arith.constant 0 : index
    %get3A_79 = vector.load %arg1[%get3A_77, %get3A_78] : memref<8x1024xf32, #tpu.memory_space<vmem>>, vector<1x1024xf32>
    %get3A_80 = vector.shape_cast %get3A_79 : vector<1x1024xf32> to vector<1024xf32>
    %sign3A_81 = tpu.bitcast %get3A_80 : vector<1024xf32> -> vector<1024xi32>
    %sign3A_82 = arith.constant -2147483648 : i32
    %sign3A_83 = vector.broadcast %sign3A_82 : i32 to vector<1024xi32>
    %sign3A_84 = arith.andi %sign3A_81, %sign3A_83 : vector<1024xi32>
    %sign3A_85 = arith.constant 1065353216 : i32
    %sign3A_86 = vector.broadcast %sign3A_85 : i32 to vector<1024xi32>
    %sign3A_87 = arith.ori %sign3A_86, %sign3A_84 : vector<1024xi32>
    %sign3A_88 = tpu.bitcast %sign3A_87 : vector<1024xi32> -> vector<1024xf32>
    %sign3A_89 = math.absf %get3A_80 : vector<1024xf32>
    %sign3A_90 = arith.constant 0.000000e+00 : f32
    %sign3A_91 = vector.broadcast %sign3A_90 : f32 to vector<1024xf32>
    %sign3A_92 = arith.cmpf ogt, %sign3A_89, %sign3A_91 : vector<1024xf32>
    %sign3A_93 = arith.select %sign3A_92, %sign3A_88, %get3A_80 : vector<1024xi1>, vector<1024xf32>
    %get3A_94 = arith.constant 1 : index
    %get3A_95 = arith.constant 0 : index
    %get3A_96 = arith.constant 0 : index
    %get3A_97 = vector.load %arg2[%get3A_94, %get3A_95, %get3A_96] : memref<2x1024x1024xf32, #tpu.memory_space<vmem>>, vector<1x1024x1024xf32>
    %get3A_98 = vector.shape_cast %get3A_97 : vector<1x1024x1024xf32> to vector<1024x1024xf32>
    %broadcast_in_dim3A_99 = vector.shape_cast %sign3A_93 : vector<1024xf32> to vector<1x1024xf32>
    %mul3A_100 = vector.broadcast %broadcast_in_dim3A_99 : vector<1x1024xf32> to vector<1024x1024xf32>
    %mul3A_101 = arith.mulf %get3A_98, %mul3A_100 : vector<1024x1024xf32>
    %max3A_102 = arith.constant 0.000000e+00 : f32
    %max3A_103 = vector.broadcast %max3A_102 : f32 to vector<1024x1024xf32>
    %max3A_104 = arith.maximumf %mul3A_101, %max3A_103 : vector<1024x1024xf32>
    %reshape3A_105 = vector.shape_cast %max3A_104 : vector<1024x1024xf32> to vector<16x64x1024xf32>
    %reduce_sum3A_106 = arith.constant dense<0.000000e+00> : vector<16xf32>
    %reduce_sum3A_107 = vector.multi_reduction <add>, %reshape3A_105, %reduce_sum3A_106 [1, 2] : vector<16x64x1024xf32> to vector<16xf32>
    %swap3A_108 = arith.constant 1 : index
    %swap3A_109 = arith.constant 0 : index
    %swap3A_110 = arith.constant 0 : index
    %swap3A_111 = vector.load %arg3[%swap3A_108, %swap3A_109, %swap3A_110] : memref<2x1x16xf32, #tpu.memory_space<vmem>>, vector<1x1x16xf32>
    %swap3A_112 = vector.shape_cast %swap3A_111 : vector<1x1x16xf32> to vector<16xf32>
    %swap3A_113 = vector.shape_cast %reduce_sum3A_107 : vector<16xf32> to vector<1x1x16xf32>
    tpu.vector_store %arg3[%swap3A_108, %swap3A_109, %swap3A_110], %swap3A_113 {strides = array<i32>} : memref<2x1x16xf32, #tpu.memory_space<vmem>>, vector<1x1x16xf32>,
    return
  }
  func.func @transform_0(%arg0: i32) -> (i32, i32) {
    %c0_i32 = arith.constant 0 : i32
    %c0_i32_0 = arith.constant 0 : i32
    %c0_i32_1 = arith.constant 0 : i32
    return %c0_i32, %c0_i32_0 : i32, i32
  }
  func.func @transform_1(%arg0: i32) -> (i32, i32, i32) {
    %c0_i32 = arith.constant 0 : i32
    %c0_i32_0 = arith.constant 0 : i32
    %c0_i32_1 = arith.constant 0 : i32
    return %arg0, %c0_i32, %c0_i32_0 : i32, i32, i32
  }
  func.func @transform_2(%arg0: i32) -> (i32, i32, i32) {
    %c0_i32 = arith.constant 0 : i32
    %c0_i32_0 = arith.constant 0 : i32
    %c0_i32_1 = arith.constant 0 : i32
    return %arg0, %c0_i32, %c0_i32_0 : i32, i32, i32
  }
}

module attributes {stable_mosaic.version = 14 : i64} {
  func.func @_tail_body(%arg0: memref<64x16xf32, #tpu.memory_space<vmem>>, %arg1: memref<64x16x16xf32, #tpu.memory_space<vmem>>, %arg2: memref<64x1xf32, #tpu.memory_space<vmem>>, %arg3: memref<64x1xf32, #tpu.memory_space<vmem>>) attributes {dimension_semantics = [], scalar_prefetch = 0 : i64, scratch_operands = 0 : i64, tpu.core_type = #tpu.core_type<tc>} {
    %get3A = arith.constant 0 : index
    %get3A_0 = arith.constant 0 : index
    %get3A_1 = vector.load %arg0[%get3A, %get3A_0] : memref<64x16xf32, #tpu.memory_space<vmem>>, vector<64x16xf32>
    %get3A_2 = arith.constant 0 : index
    %get3A_3 = arith.constant 0 : index
    %get3A_4 = arith.constant 0 : index
    %get3A_5 = vector.load %arg1[%get3A_2, %get3A_3, %get3A_4] : memref<64x16x16xf32, #tpu.memory_space<vmem>>, vector<64x16x16xf32>
    %reduce_sum3A = arith.constant dense<0.000000e+00> : vector<64x16xf32>
    %reduce_sum3A_6 = vector.multi_reduction <add>, %get3A_5, %reduce_sum3A [2] : vector<64x16x16xf32> to vector<64x16xf32>
    %broadcast_in_dim3A = vector.shape_cast %get3A_1 : vector<64x16xf32> to vector<64x16x1xf32>
    %broadcast_in_dim3A_7 = vector.shape_cast %get3A_1 : vector<64x16xf32> to vector<64x1x16xf32>
    %iota3A = tpu.iota {dimensions = array<i32: 2>} : vector<64x16x16xi32>
    %iota3A_8 = tpu.iota {dimensions = array<i32: 1>} : vector<64x16x16xi32>
    %gt3A = vector.broadcast %broadcast_in_dim3A_7 : vector<64x1x16xf32> to vector<64x16x16xf32>
    %gt3A_9 = vector.broadcast %broadcast_in_dim3A : vector<64x16x1xf32> to vector<64x16x16xf32>
    %gt3A_10 = arith.cmpf ogt, %gt3A, %gt3A_9 : vector<64x16x16xf32>
    %eq3A = vector.broadcast %broadcast_in_dim3A_7 : vector<64x1x16xf32> to vector<64x16x16xf32>
    %eq3A_11 = vector.broadcast %broadcast_in_dim3A : vector<64x16x1xf32> to vector<64x16x16xf32>
    %eq3A_12 = arith.cmpf oeq, %eq3A, %eq3A_11 : vector<64x16x16xf32>
    %lt3A = arith.cmpi slt, %iota3A, %iota3A_8 : vector<64x16x16xi32>
    %and3A = arith.andi %eq3A_12, %lt3A : vector<64x16x16xi1>
    %or3A = arith.ori %gt3A_10, %and3A : vector<64x16x16xi1>
    %convert_element_type3A = arith.extui %or3A : vector<64x16x16xi1> to vector<64x16x16xi32>
    %convert_element_type3A_13 = arith.sitofp %convert_element_type3A : vector<64x16x16xi32> to vector<64x16x16xf32>
    %reduce_sum3A_14 = arith.constant dense<0.000000e+00> : vector<64x16xf32>
    %reduce_sum3A_15 = vector.multi_reduction <add>, %convert_element_type3A_13, %reduce_sum3A_14 [2] : vector<64x16x16xf32> to vector<64x16xf32>
    %sub3A = arith.constant 1.600000e+01 : f32
    %sub3A_16 = vector.broadcast %sub3A : f32 to vector<64x16xf32>
    %sub3A_17 = arith.subf %sub3A_16, %reduce_sum3A_15 : vector<64x16xf32>
    %mul3A = arith.mulf %sub3A_17, %reduce_sum3A_6 : vector<64x16xf32>
    %reduce_sum3A_18 = arith.constant dense<0.000000e+00> : vector<64xf32>
    %reduce_sum3A_19 = vector.multi_reduction <add>, %mul3A, %reduce_sum3A_18 [1] : vector<64x16xf32> to vector<64xf32>
    %broadcast_in_dim3A_20 = vector.shape_cast %reduce_sum3A_19 : vector<64xf32> to vector<64x1xf32>
    %get3A_21 = arith.constant 0 : index
    %get3A_22 = arith.constant 0 : index
    %get3A_23 = vector.load %arg2[%get3A_21, %get3A_22] : memref<64x1xf32, #tpu.memory_space<vmem>>, vector<64x1xf32>
    %reduce_sum3A_24 = arith.constant dense<0.000000e+00> : vector<64xf32>
    %reduce_sum3A_25 = vector.multi_reduction <add>, %reduce_sum3A_6, %reduce_sum3A_24 [1] : vector<64x16xf32> to vector<64xf32>
    %broadcast_in_dim3A_26 = vector.shape_cast %reduce_sum3A_25 : vector<64xf32> to vector<64x1xf32>
    %add3A = arith.addf %broadcast_in_dim3A_26, %get3A_23 : vector<64x1xf32>
    %div3A = arith.divf %get3A_23, %add3A : vector<64x1xf32>
    %add3A_27 = arith.constant 1.000000e+00 : f32
    %add3A_28 = vector.broadcast %add3A_27 : f32 to vector<64x1xf32>
    %add3A_29 = arith.addf %add3A_28, %div3A : vector<64x1xf32>
    %mul3A_30 = arith.constant 5.000000e-01 : f32
    %mul3A_31 = vector.broadcast %mul3A_30 : f32 to vector<64x1xf32>
    %mul3A_32 = arith.mulf %mul3A_31, %add3A_29 : vector<64x1xf32>
    %mul3A_33 = arith.constant 1.600000e+01 : f32
    %mul3A_34 = vector.broadcast %mul3A_33 : f32 to vector<64x1xf32>
    %mul3A_35 = arith.mulf %mul3A_34, %add3A : vector<64x1xf32>
    %sub3A_36 = arith.subf %mul3A_35, %broadcast_in_dim3A_20 : vector<64x1xf32>
    %div3A_37 = arith.divf %sub3A_36, %add3A : vector<64x1xf32>
    %add3A_38 = arith.addf %mul3A_32, %div3A_37 : vector<64x1xf32>
    %mul3A_39 = arith.constant 0.055555556 : f32
    %mul3A_40 = vector.broadcast %mul3A_39 : f32 to vector<64x1xf32>
    %mul3A_41 = arith.mulf %mul3A_40, %add3A_38 : vector<64x1xf32>
    %swap3A = arith.constant 0 : index
    %swap3A_42 = arith.constant 0 : index
    %swap3A_43 = vector.load %arg3[%swap3A, %swap3A_42] : memref<64x1xf32, #tpu.memory_space<vmem>>, vector<64x1xf32>
    tpu.vector_store %arg3[%swap3A, %swap3A_42], %mul3A_41 {strides = array<i32>} : memref<64x1xf32, #tpu.memory_space<vmem>>, vector<64x1xf32>,
    return
  }
}

</mosaic_0001>

<sc_bundles>
// kernel: kernel.5.cloned.1.call-start
scs
__scs_entry_jumppad:
0x0: {  	(pc) =	sbr.rel $0x88, $3  }
0x1: {  	(tag) =	ssettag $0x0;
	lr =	simm.s32 $0x1  }
0x2: {  	[smem:$0x3F9D] =	sst lr;
	_ =	strace $0xD0000000  }
0x3: {  	_ = 	snop  }
0x4: {  	_ = 	snop  }
0x5: {  	_ = 	snop  }
0x6: {  	_ = 	snop  }
0x7: {  	_ = 	snop  }
__scs_overlays_trampoline_lowered:
0x8: {  	[smem:$0x3FAC] =	sst s0  }
0x9: {  	[smem:$0x3FAD] =	sst s1  }
0xa: {  	[smem:$0x3FAE] =	sst s2  }
0xb: {  	[smem:$0x3FAF] =	sst s3  }
0xc: {  	[smem:$0x3FB0] =	sst s4  }
0xd: {  	[smem:$0x3FB1] =	sst s5  }
0xe: {  	[smem:$0x3FB2] =	sst s6  }
0xf: {  	[smem:$0x3FB3] =	sst s7  }
0x10: {  	[smem:$0x3FB4] =	sst s8  }
0x11: {  	[smem:$0x3FB5] =	sst s9;
	s0 =	simm.s32 @!p0 $0x0  }
0x12: {  	s1 =	sld [smem:$0x3F9B];
	s0 =	simm.s32 @p0 $0x1  }
0x13: {  	[smem:$0x3FB6] =	sst s0;
	s0 =	simm.s32 @!p1 $0x0  }
0x14: {  	s2 =	sld [smem:$0x3F9A];
	s0 =	simm.s32 @p1 $0x1  }
0x15: {  	[smem:$0x3FB7] =	sst s0;
	s0 =	simm.s32 @!p2 $0x0  }
0x16: {  	s3 =	sld [smem:$0x3FDB];
	s0 =	simm.s32 @p2 $0x1  }
0x17: {  	s4 =	simm.s32 $0x1BF5;
	[smem:$0x3FB9] =	sst s0  }
0x18: {  	s0 =	sld [smem:$0x3F9C];
	_ =	swait.ge [sflag:s4], $0x0  }
0x19: {  	s7 =	sld [smem:$0x3F9D]  }
0x1a: {  	s8 =	sadd.s32 $0xFFFFE003, lr  }
0x1b: {  	s9 =	sadd.s32 $0xFFFFFEF7, lr;
	s5 =	simm.s32 $0xFFFFFFFF;
	p2 =	slt.u32 s8, $0xFFFFF086  }
0x1c: {  	p1 =	slt.u32 s9, $0xF7A;
	s5 =	simm.s32 @!p2 $0x0  }
0x1d: {  	s5 =	simm.s32 @p1 $0x1;
	p0 =	seq.s32 s7, s2  }
0x1e: {  	s7 =	smul.u32 @!p0 $0xF7A, s2;
	p2 =	seq.s32 @!p0 s5, $0x0  }
0x1f: {  	s9 =	smul.u32 $0xF7A, s1;
	s8 =	simm.s32 @!p0 $0x1BF5;
	p2 =	por !p2, p0  }
0x20: {  	[sflag:s8] =	ssyncset.s32 @!p0 $0xFFFFF086;
	s6 =	sadd.s32 @!p0 s3, s7;
	s7 =	simm.s32 @!p0 $0x108  }
0x21: {  	s3 =	sadd.s32 s3, s9;
	s6 =	sadd.s32 @!p0 $0x88, s6;
	s7 =	simm.s32 @p2 $0x1082  }
0x22: {  	[simem:s7], [sflag:s8] =	dma.local @!p0 [hbm:s6], $0xF7A  }
0x23: {  	s9 =	sor.u32 $0xD0000000, s2;
	s6 =	simm.s32 $0x108;
	_ =	swait.ge @!p0 [sflag:s8], $0x0  }
0x24: {  	s3 =	sadd.s32 $0x88, s3;
	s6 =	simm.s32 @!p1 $0x1082;
	[sflag:s4] =	ssyncset.s32 $0xFFFFF086  }
0x25: {  	[simem:s6], [sflag:s4] =	dma.local [hbm:s3], $0xF7A  }
0x26: {  	[smem:$0x3F9D] =	sst s1;
	(tag) =	ssettag s2;
	_ =	strace s9  }
0x27: {  	s1 =	sld [smem:$0x3FAD]  }
0x28: {  	s2 =	sld [smem:$0x3FAE]  }
0x29: {  	s4 =	sld [smem:$0x3FB0]  }
0x2a: {  	p0 =	seq.s32 s5, $0x0;
	s5 =	sld [smem:$0x3FB1]  }
0x2b: {  	s6 =	sld [smem:$0x3FB2]  }
0x2c: {  	s7 =	sld [smem:$0x3FB3]  }
0x2d: {  	s3 =	simm.s32 $0x108;
	s8 =	sld [smem:$0x3FB4]  }
0x2e: {  	s3 =	simm.s32 @!p0 $0x1082;
	s9 =	sld [smem:$0x3FB5]  }
0x2f: {  	lr =	sadd.s32 s0, s3;
	s0 =	sld [smem:$0x3FAC]  }
0x30: {  	s3 =	sld [smem:$0x3FAF]  }
0x31: {  	[smem:$0x3FB8] =	sst s10  }
0x32: {  	s10 =	sld [smem:$0x3FB6];
	_ =	sdelay $0x3  }
0x33: {  	p0 =	seq.s32 s10, $0x1;
	s10 =	sld [smem:$0x3FB8];
	_ =	sdelay $0x3  }
0x34: {  	[smem:$0x3FB8] =	sst s10  }
0x35: {  	s10 =	sld [smem:$0x3FB7];
	_ =	sdelay $0x3  }
0x36: {  	p1 =	seq.s32 s10, $0x1;
	s10 =	sld [smem:$0x3FB8];
	_ =	sdelay $0x3  }
0x37: {  	[smem:$0x3FB8] =	sst s10  }
0x38: {  	s10 =	sld [smem:$0x3FB9]  }
0x39: {  	_ = 	snop;
	(pc) =	sbr.ind lr, $3  }
0x3a: {  	_ = 	snop  }
0x3b: {  	_ = 	snop  }
0x3c: {  	p2 =	seq.s32 s10, $0x1;
	s10 =	sld [smem:$0x3FB8]  }
0x3d: {  	_ =	shalt  }
0x3e: {  	_ =	shalt  }
0x3f: {  	_ =	shalt  }
0x40: {  	_ =	shalt  }
0x41: {  	_ =	shalt  }
0x42: {  	_ =	shalt  }
0x43: {  	_ =	shalt  }
0x44: {  	_ =	shalt  }
0x45: {  	_ =	shalt  }
0x46: {  	_ =	shalt  }
0x47: {  	_ =	shalt  }
0x48: {  	_ =	shalt  }
0x49: {  	_ =	shalt  }
0x4a: {  	_ =	shalt  }
0x4b: {  	_ =	shalt  }
0x4c: {  	_ =	shalt  }
0x4d: {  	_ =	shalt  }
0x4e: {  	_ =	shalt  }
0x4f: {  	_ =	shalt  }
0x50: {  	_ =	shalt  }
0x51: {  	_ =	shalt  }
0x52: {  	_ =	shalt  }
0x53: {  	_ =	shalt  }
0x54: {  	_ =	shalt  }
0x55: {  	_ =	shalt  }
0x56: {  	_ =	shalt  }
0x57: {  	_ =	shalt  }
0x58: {  	_ =	shalt  }
0x59: {  	_ =	shalt  }
0x5a: {  	_ =	shalt  }
0x5b: {  	_ =	shalt  }
0x5c: {  	_ =	shalt  }
0x5d: {  	_ =	shalt  }
0x5e: {  	_ =	shalt  }
0x5f: {  	_ =	shalt  }
0x60: {  	_ =	shalt  }
0x61: {  	_ =	shalt  }
0x62: {  	_ =	shalt  }
0x63: {  	_ =	shalt  }
0x64: {  	_ =	shalt  }
0x65: {  	_ =	shalt  }
0x66: {  	_ =	shalt  }
0x67: {  	_ =	shalt  }
0x68: {  	_ =	shalt  }
0x69: {  	_ =	shalt  }
0x6a: {  	_ =	shalt  }
0x6b: {  	_ =	shalt  }
0x6c: {  	_ =	shalt  }
0x6d: {  	_ =	shalt  }
0x6e: {  	_ =	shalt  }
0x6f: {  	_ =	shalt  }
0x70: {  	_ =	shalt  }
0x71: {  	_ =	shalt  }
0x72: {  	_ =	shalt  }
0x73: {  	_ =	shalt  }
0x74: {  	_ =	shalt  }
0x75: {  	_ =	shalt  }
0x76: {  	_ =	shalt  }
0x77: {  	_ =	shalt  }
0x78: {  	_ =	shalt  }
0x79: {  	_ =	shalt  }
0x7a: {  	_ =	shalt  }
0x7b: {  	_ =	shalt  }
0x7c: {  	_ =	shalt  }
0x7d: {  	_ =	shalt  }
0x7e: {  	_ =	shalt  }
0x7f: {  	_ =	shalt  }
0x80: {  	_ =	shalt  }
0x81: {  	_ =	shalt  }
0x82: {  	_ =	shalt  }
0x83: {  	_ =	shalt  }
0x84: {  	_ =	shalt  }
0x85: {  	_ =	shalt  }
0x86: {  	_ =	shalt  }
0x87: {  	_ =	shalt  }
.Lfunc_end0:
.L_simem_size_0:
called_computation_lowered:
.L_overlay_start_0:
0x88: {  	s2 =	sld [smem:$0x3FD9]  }
0x89: {  	s3 =	sld [smem:$0x3FFE];
	_ =	sdelay $0x1  }
0x8a: {  	s1 =	srdreg.scid  }
0x8b: {  	s0 =	sand.u32 $0x1, s1  }
0x8c: {  	s17 =	sshll.u32 s0, $0xA;
	s2 =	sadd.s32 s3, s2  }
0x8d: {  	s2 =	sadd.s32 s2, s17  }
0x8e: {  	[smem:$0x3FC4] =	sst s2  }
0x8f: {  	_ = 	snop  }
0x90: {  	s2 =	sld [smem:$0x3FC9]  }
0x91: {  	s18 =	sld [smem:$0x3FC7];
	(tm) =	ssettm $0x1  }
0x92: {  	s4 =	sld [smem:$0x3FFB];
	_ =	sdelay $0x3  }
0x93: {  	_ =	strace s4  }
0x94: {  	s4 =	sld [smem:$0x3FFC];
	_ =	sdelay $0x3  }
0x95: {  	_ =	strace s4  }
0x96: {  	s4 =	sld [smem:$0x3FFD];
	_ =	sdelay $0x3  }
0x97: {  	_ =	strace s4  }
0x98: {  	_ =	strace $0x8FFFFFFF  }
0x99: {  	s19 =	sld [smem:$0x3FDB];
	_ =	sdelay $0x1  }
0x9a: {  	s5 =	simm.s32 $_scs_section_size  }
0x9b: {  	s6 =	simm.s32 $_size__tile_overlayer_lowered;
	s7 =	simm.s32 $_tile_overlayer_lowered  }
0x9c: {  	s22 =	simm.s32 $0x1BFF;
	s21 =	sshll.u32 s7, $0x1;
	s4 =	sadd.s32 s5, s19  }
0x9d: {  	s8 =	simm.s32 $0x0;
	s20 =	sshll.u32 s6, $0x1;
	s6 =	sadd.s32 s21, s4  }
0x9e: {  	[timem:s8], [sflag:s22] =	dma.local [hbm:s6], s20  }
0x9f: {  	_ =	swait.ge [sflag:s22], s20  }
0xa0: {  	s5 =	ssub.s32 $0x0, s20;
	[sflag:s22] =	ssyncset.done $0x0  }
0xa1: {  	[sflag:s22] =	ssyncadd.s32 s5;
	_ =	sdelay $0x1  }
0xa2: {  	s23 =	simm.s32 $0x1B8B  }
0xa3: {  	_ =	swait.ge [sflag:s23], $0x1  }
0xa4: {  	[sflag:s23] =	ssyncset.done $0x0  }
0xa5: {  	s25 =	simm.s32 $0x1B8E;
	s24 =	sld [smem:$0x3FFE];
	[sflag:s23] =	ssyncadd.s32 $0xFFFFFFFF  }
0xa6: {  	s26 =	simm.s32 $execute0_lowered;
	[smem:$0x3FD2] =	sst s25  }
0xa7: {  	s6 =	sshll.u32 s26, $0x1;
	_ =	strace $0x80000046;
	[dreg:$0x1] =	wrdreg $0xFFFFFFFF  }
0xa8: {  	s28 =	simm.s32 $_size_execute0_lowered;
	s4 =	sadd.s32 s4, s6;
	[dreg:$0x0] =	wrdreg $0x0  }
0xa9: {  	s6 =	sshll.u32 s28, $0x1;
	[dreg:$0x2] =	wrdreg s4  }
0xaa: {  	[dreg:$0x3] =	wrdreg s6  }
0xab: {  	[dreg:$0x4] =	wrdreg $0xC0  }
0xac: {  	_ =	task [dreg:s8], $0x5FFFF  }
0xad: {  	[dreg:$0x1] =	wrdreg $0xFFFFFFFF  }
0xae: {  	[dreg:$0x0] =	wrdreg $0x60  }
0xaf: {  	[dreg:$0x2] =	wrdreg s2  }
0xb0: {  	[dreg:$0x3] =	wrdreg s18  }
0xb1: {  	[dreg:$0x4] =	wrdreg s24  }
0xb2: {  	[dreg:$0x5] =	wrdreg $0x9  }
0xb3: {  	_ =	task.clear_ibuf [dreg:s8], $0x6FFFF;
	_ =	strace $0x90000046  }
0xb4: {  	s29 =	simm.s32 $0x9;
	_ =	strace $0x80000048  }
0xb5: {  	_ =	swait.ge [sflag:s29], $0x1  }
0xb6: {  	[sflag:s29] =	ssyncadd.s32 $0xFFFFFFFF  }
0xb7: {  	_ =	strace $0x90000048  }
0xb8: {  	_ =	sfence  }
0xb9: {  	s30 =	sld [smem:$0x0];
	_ =	sdelay $0x2  }
0xba: {  	s31 =	sshll.u32 s1, $0xD;
	s1 =	sshrl.u32 s1, $0x2  }
0xbb: {  	s3 =	sand.u32 $0x4000, s31;
	s1 =	sadd.s32 s1, s30  }
0xbc: {  	s0 =	sor.u32 s3, s0;
	s1 =	sshll.u32 s1, $0x11  }
0xbd: {  	s0 =	sor.u32 s1, s0  }
0xbe: {  	s0 =	sadd.s32 $0x8F2B, s0  }
0xbf: {  	[sflag:s0] =	ssyncadd.remote.s32 $0x1  }
0xc0: {  	_ =	sfence.sel $0xFFFF  }
0xc1: {  	[dreg:$0x0] =	wrdreg $0xFFFFFFFF;
	(pc) =	sbr.abs _section_cstart, $3  }
0xc2: {  	[dreg:$0x1] =	wrdreg $0xFFFFFFFF  }
0xc3: {  	_ =	task.clear_ibuf [dreg:s8], $0x2FFFF;
	_ =	strace $0x9FFFFFFF  }
0xc4: {  	(tm) =	ssettm $0x7FFFFFFF  }
0xc5: {  	_ =	shalt  }
tec
execute0_lowered:
.L_overlay_start_1:
0x0: {  	(tag) =	ssettag $0x1  }
0x1: {  	s1 =	rddreg [dreg:$0x0]  }
0x2: {  	s3 =	rddreg [dreg:$0x1];
	s2 =	srdreg.scid  }
0x3: {  	s0 =	stileid.u32;
	s5 =	rddreg [dreg:$0x2];
	s4 =	simm.s32 $0x0  }
0x4: {  	s11 =	simm.s32 $0x2000;
	s6 =	sand.u32 $0x1, s2;
	s2 =	rddreg [dreg:$0x3]  }
0x5: {  	s12 =	simm.s32 $0x4000;
	s7 =	sshll.u32 s0, $0x1;
	[smem:$0x7FF] =	sst s4  }
0x6: {  	s9 =	sshll.u32 s0, $0x6;
	s7 =	sor.u32 s6, s7;
	s31 =	ssub.s32 $0x2, s6  }
0x7: {  	_ =	strace $0x80000047;
	s8 =	sshll.u32 s7, $0x6;
	s6 =	sshrl.u32 s31, $0x1  }
0x8: {  	s7 =	sshll.u32 s7, $0x8;
	s8 =	sadd.s32 s8, s5;
	s10 =	ssub.s32 s31, s6  }
0x9: {  	s5 =	sand.u32 $0x380, s9;
	s6 =	sand.u32 $0x300, s7;
	s7 =	sor.u32 $0x1C70, s9  }
0xa: {  	s8 =	sadd.s32 $0x200, s8;
	s9 =	smax.u32 s10, $0x1;
	s10 =	simm.s32 $0x1  }
.LBB2_1:
0xb: {  	[tilespmem:s4], [sflag:$0x1] =	stream.linear.gather [hbm4b:s1+s4], $0x2000, $0x38;
	[tilespmem:$0x4200] =	vst v63  }
0xc: {  	_ =	swait.ge [sflag:s10], $0x2000  }
0xd: {  	[sflag:s10] =	ssyncset.done $0x0  }
0xe: {  	[sflag:s10] =	ssyncadd.s32 $0xFFFFE000  }
0xf: {  	[tilespmem:s11], [sflag:$0x1] =	stream.linear.gather [hbm4b:s3+s4], $0x2000, $0x38;
	[tilespmem:$0x4200] =	vst v63  }
0x10: {  	_ =	swait.ge [sflag:s10], $0x2000  }
0x11: {  	[sflag:s10] =	ssyncset.done $0x0  }
0x12: {  	[sflag:s10] =	ssyncadd.s32 $0xFFFFE000  }
0x13: {  	v0 =	vld [tilespmem:s5+$0x0]  }
0x14: {  	v1 =	vld [tilespmem:s6+$0x2000]  }
0x15: {  	v2 =	vld [tilespmem:s5+$0x10]  }
0x16: {  	v3 =	vld [tilespmem:s6+$0x2010]  }
0x17: {  	v4 =	vld [tilespmem:s5+$0x20]  }
0x18: {  	v5 =	vld [tilespmem:s6+$0x2020]  }
0x19: {  	v39 =	vld [tilespmem:s5+$0x30];
	v0 =	vmul.f32 v1, v0  }
0x1a: {  	v6 =	vld [tilespmem:s6+$0x2030]  }
0x1b: {  	v2 =	vmul.f32 v3, v2;
	v0 =	vadd.f32 $0.0e+00, v0;
	_ =	sdelay $0x1  }
0x1c: {  	v40 =	vmul.f32 v5, v4;
	v0 =	vadd.f32 v2, v0;
	_ =	sdelay $0x1  }
0x1d: {  	v1 =	vmul.f32 v6, v39;
	v0 =	vadd.f32 v40, v0;
	_ =	sdelay $0x1  }
0x1e: {  	v0 =	vadd.f32 v1, v0;
	_ =	sdelay $0x1  }
0x1f: {  	[tilespmem:$0x4000] =	vst v0  }
0x20: {  	v0 =	vld [tilespmem:s5+$0x40]  }
0x21: {  	v41 =	vld [tilespmem:s6+$0x2040]  }
0x22: {  	v42 =	vld [tilespmem:s5+$0x50]  }
0x23: {  	v43 =	vld [tilespmem:s6+$0x2050]  }
0x24: {  	v44 =	vld [tilespmem:s5+$0x60]  }
0x25: {  	v45 =	vld [tilespmem:s6+$0x2060]  }
0x26: {  	v46 =	vld [tilespmem:s5+$0x70];
	v0 =	vmul.f32 v41, v0  }
0x27: {  	v47 =	vld [tilespmem:s6+$0x2070]  }
0x28: {  	v2 =	vmul.f32 v43, v42;
	v0 =	vadd.f32 $0.0e+00, v0;
	_ =	sdelay $0x1  }
0x29: {  	v48 =	vmul.f32 v45, v44;
	v0 =	vadd.f32 v2, v0;
	_ =	sdelay $0x1  }
0x2a: {  	v1 =	vmul.f32 v47, v46;
	v0 =	vadd.f32 v48, v0;
	_ =	sdelay $0x1  }
0x2b: {  	v0 =	vadd.f32 v1, v0;
	_ =	sdelay $0x1  }
0x2c: {  	[tilespmem:$0x4010] =	vst v0  }
0x2d: {  	v0 =	vld [tilespmem:s5+$0x400]  }
0x2e: {  	v49 =	vld [tilespmem:s6+$0x2400]  }
0x2f: {  	v50 =	vld [tilespmem:s5+$0x410]  }
0x30: {  	v51 =	vld [tilespmem:s6+$0x2410]  }
0x31: {  	v52 =	vld [tilespmem:s5+$0x420]  }
0x32: {  	v53 =	vld [tilespmem:s6+$0x2420]  }
0x33: {  	v54 =	vld [tilespmem:s5+$0x430];
	v0 =	vmul.f32 v49, v0  }
0x34: {  	v55 =	vld [tilespmem:s6+$0x2430]  }
0x35: {  	v2 =	vmul.f32 v51, v50;
	v0 =	vadd.f32 $0.0e+00, v0;
	_ =	sdelay $0x1  }
0x36: {  	v56 =	vmul.f32 v53, v52;
	v0 =	vadd.f32 v2, v0;
	_ =	sdelay $0x1  }
0x37: {  	v1 =	vmul.f32 v55, v54;
	v0 =	vadd.f32 v56, v0;
	_ =	sdelay $0x1  }
0x38: {  	v0 =	vadd.f32 v1, v0;
	_ =	sdelay $0x1  }
0x39: {  	[tilespmem:$0x4020] =	vst v0  }
0x3a: {  	v0 =	vld [tilespmem:s5+$0x440]  }
0x3b: {  	v57 =	vld [tilespmem:s6+$0x2440]  }
0x3c: {  	v58 =	vld [tilespmem:s5+$0x450]  }
0x3d: {  	v59 =	vld [tilespmem:s6+$0x2450]  }
0x3e: {  	v60 =	vld [tilespmem:s5+$0x460]  }
0x3f: {  	v61 =	vld [tilespmem:s6+$0x2460]  }
0x40: {  	v62 =	vld [tilespmem:s5+$0x470];
	v0 =	vmul.f32 v57, v0  }
0x41: {  	v63 =	vld [tilespmem:s6+$0x2470]  }
0x42: {  	v2 =	vmul.f32 v59, v58;
	v0 =	vadd.f32 $0.0e+00, v0;
	_ =	sdelay $0x1  }
0x43: {  	v8 =	vmul.f32 v61, v60;
	v0 =	vadd.f32 v2, v0;
	_ =	sdelay $0x1  }
0x44: {  	v1 =	vmul.f32 v63, v62;
	v0 =	vadd.f32 v8, v0;
	_ =	sdelay $0x1  }
0x45: {  	v0 =	vadd.f32 v1, v0;
	_ =	sdelay $0x1  }
0x46: {  	[tilespmem:$0x4030] =	vst v0  }
0x47: {  	v0 =	vld [tilespmem:s5+$0x800]  }
0x48: {  	v9 =	vld [tilespmem:s6+$0x2800]  }
0x49: {  	v10 =	vld [tilespmem:s5+$0x810]  }
0x4a: {  	v11 =	vld [tilespmem:s6+$0x2810]  }
0x4b: {  	v12 =	vld [tilespmem:s5+$0x820]  }
0x4c: {  	v13 =	vld [tilespmem:s6+$0x2820]  }
0x4d: {  	v14 =	vld [tilespmem:s5+$0x830];
	v0 =	vmul.f32 v9, v0  }
0x4e: {  	v15 =	vld [tilespmem:s6+$0x2830]  }
0x4f: {  	v2 =	vmul.f32 v11, v10;
	v0 =	vadd.f32 $0.0e+00, v0;
	_ =	sdelay $0x1  }
0x50: {  	v16 =	vmul.f32 v13, v12;
	v0 =	vadd.f32 v2, v0;
	_ =	sdelay $0x1  }
0x51: {  	v1 =	vmul.f32 v15, v14;
	v0 =	vadd.f32 v16, v0;
	_ =	sdelay $0x1  }
0x52: {  	v0 =	vadd.f32 v1, v0;
	_ =	sdelay $0x1  }
0x53: {  	[tilespmem:$0x4040] =	vst v0  }
0x54: {  	v0 =	vld [tilespmem:s5+$0x840]  }
0x55: {  	v17 =	vld [tilespmem:s6+$0x2840]  }
0x56: {  	v18 =	vld [tilespmem:s5+$0x850]  }
0x57: {  	v19 =	vld [tilespmem:s6+$0x2850]  }
0x58: {  	v20 =	vld [tilespmem:s5+$0x860]  }
0x59: {  	v21 =	vld [tilespmem:s6+$0x2860]  }
0x5a: {  	v22 =	vld [tilespmem:s5+$0x870];
	v0 =	vmul.f32 v17, v0  }
0x5b: {  	v23 =	vld [tilespmem:s6+$0x2870]  }
0x5c: {  	v2 =	vmul.f32 v19, v18;
	v0 =	vadd.f32 $0.0e+00, v0;
	_ =	sdelay $0x1  }
0x5d: {  	v24 =	vmul.f32 v21, v20;
	v0 =	vadd.f32 v2, v0;
	_ =	sdelay $0x1  }
0x5e: {  	v1 =	vmul.f32 v23, v22;
	v0 =	vadd.f32 v24, v0;
	_ =	sdelay $0x1  }
0x5f: {  	v0 =	vadd.f32 v1, v0;
	_ =	sdelay $0x1  }
0x60: {  	[tilespmem:$0x4050] =	vst v0  }
0x61: {  	v0 =	vld [tilespmem:s5+$0xC00]  }
0x62: {  	v25 =	vld [tilespmem:s6+$0x2C00]  }
0x63: {  	v26 =	vld [tilespmem:s5+$0xC10]  }
0x64: {  	v27 =	vld [tilespmem:s6+$0x2C10]  }
0x65: {  	v28 =	vld [tilespmem:s5+$0xC20]  }
0x66: {  	v29 =	vld [tilespmem:s6+$0x2C20]  }
0x67: {  	v30 =	vld [tilespmem:s5+$0xC30];
	v0 =	vmul.f32 v25, v0  }
0x68: {  	v31 =	vld [tilespmem:s6+$0x2C30]  }
0x69: {  	v2 =	vmul.f32 v27, v26;
	v0 =	vadd.f32 $0.0e+00, v0;
	_ =	sdelay $0x1  }
0x6a: {  	v32 =	vmul.f32 v29, v28;
	v0 =	vadd.f32 v2, v0;
	_ =	sdelay $0x1  }
0x6b: {  	v1 =	vmul.f32 v31, v30;
	v0 =	vadd.f32 v32, v0;
	_ =	sdelay $0x1  }
0x6c: {  	v0 =	vadd.f32 v1, v0;
	_ =	sdelay $0x1  }
0x6d: {  	[tilespmem:$0x4060] =	vst v0  }
0x6e: {  	v0 =	vld [tilespmem:s5+$0xC40]  }
0x6f: {  	v33 =	vld [tilespmem:s6+$0x2C40]  }
0x70: {  	v34 =	vld [tilespmem:s5+$0xC50]  }
0x71: {  	v35 =	vld [tilespmem:s6+$0x2C50]  }
0x72: {  	v36 =	vld [tilespmem:s5+$0xC60]  }
0x73: {  	v37 =	vld [tilespmem:s6+$0x2C60]  }
0x74: {  	v38 =	vld [tilespmem:s5+$0xC70];
	v0 =	vmul.f32 v33, v0  }
0x75: {  	v39 =	vld [tilespmem:s6+$0x2C70]  }
0x76: {  	v2 =	vmul.f32 v35, v34;
	v0 =	vadd.f32 $0.0e+00, v0;
	_ =	sdelay $0x1  }
0x77: {  	v40 =	vmul.f32 v37, v36;
	v0 =	vadd.f32 v2, v0;
	_ =	sdelay $0x1  }
0x78: {  	v1 =	vmul.f32 v39, v38;
	v0 =	vadd.f32 v40, v0;
	_ =	sdelay $0x1  }
0x79: {  	v0 =	vadd.f32 v1, v0;
	_ =	sdelay $0x1  }
0x7a: {  	[tilespmem:$0x4070] =	vst v0  }
0x7b: {  	v0 =	vld [tilespmem:s5+$0x1000]  }
0x7c: {  	v41 =	vld [tilespmem:s6+$0x3000]  }
0x7d: {  	v42 =	vld [tilespmem:s5+$0x1010]  }
0x7e: {  	v43 =	vld [tilespmem:s6+$0x3010]  }
0x7f: {  	v44 =	vld [tilespmem:s5+$0x1020]  }
0x80: {  	v45 =	vld [tilespmem:s6+$0x3020]  }
0x81: {  	v46 =	vld [tilespmem:s5+$0x1030];
	v0 =	vmul.f32 v41, v0  }
0x82: {  	v47 =	vld [tilespmem:s6+$0x3030]  }
0x83: {  	v2 =	vmul.f32 v43, v42;
	v0 =	vadd.f32 $0.0e+00, v0;
	_ =	sdelay $0x1  }
0x84: {  	v48 =	vmul.f32 v45, v44;
	v0 =	vadd.f32 v2, v0;
	_ =	sdelay $0x1  }
0x85: {  	v1 =	vmul.f32 v47, v46;
	v0 =	vadd.f32 v48, v0;
	_ =	sdelay $0x1  }
0x86: {  	v0 =	vadd.f32 v1, v0;
	_ =	sdelay $0x1  }
0x87: {  	[tilespmem:$0x4080] =	vst v0  }
0x88: {  	v0 =	vld [tilespmem:s5+$0x1040]  }
0x89: {  	v49 =	vld [tilespmem:s6+$0x3040]  }
0x8a: {  	v50 =	vld [tilespmem:s5+$0x1050]  }
0x8b: {  	v51 =	vld [tilespmem:s6+$0x3050]  }
0x8c: {  	v52 =	vld [tilespmem:s5+$0x1060]  }
0x8d: {  	v53 =	vld [tilespmem:s6+$0x3060]  }
0x8e: {  	v54 =	vld [tilespmem:s5+$0x1070];
	v0 =	vmul.f32 v49, v0  }
0x8f: {  	v55 =	vld [tilespmem:s6+$0x3070]  }
0x90: {  	v2 =	vmul.f32 v51, v50;
	v0 =	vadd.f32 $0.0e+00, v0;
	_ =	sdelay $0x1  }
0x91: {  	v56 =	vmul.f32 v53, v52;
	v0 =	vadd.f32 v2, v0;
	_ =	sdelay $0x1  }
0x92: {  	v1 =	vmul.f32 v55, v54;
	v0 =	vadd.f32 v56, v0;
	_ =	sdelay $0x1  }
0x93: {  	v0 =	vadd.f32 v1, v0;
	_ =	sdelay $0x1  }
0x94: {  	[tilespmem:$0x4090] =	vst v0  }
0x95: {  	v0 =	vld [tilespmem:s5+$0x1400]  }
0x96: {  	v57 =	vld [tilespmem:s6+$0x3400]  }
0x97: {  	v58 =	vld [tilespmem:s5+$0x1410]  }
0x98: {  	v59 =	vld [tilespmem:s6+$0x3410]  }
0x99: {  	v60 =	vld [tilespmem:s5+$0x1420]  }
0x9a: {  	v61 =	vld [tilespmem:s6+$0x3420]  }
0x9b: {  	v62 =	vld [tilespmem:s5+$0x1430];
	v0 =	vmul.f32 v57, v0  }
0x9c: {  	v63 =	vld [tilespmem:s6+$0x3430]  }
0x9d: {  	v2 =	vmul.f32 v59, v58;
	v0 =	vadd.f32 $0.0e+00, v0;
	_ =	sdelay $0x1  }
0x9e: {  	v8 =	vmul.f32 v61, v60;
	v0 =	vadd.f32 v2, v0;
	_ =	sdelay $0x1  }
0x9f: {  	v1 =	vmul.f32 v63, v62;
	v0 =	vadd.f32 v8, v0;
	_ =	sdelay $0x1  }
0xa0: {  	v0 =	vadd.f32 v1, v0;
	_ =	sdelay $0x1  }
0xa1: {  	[tilespmem:$0x40A0] =	vst v0  }
0xa2: {  	v0 =	vld [tilespmem:s5+$0x1440]  }
0xa3: {  	v9 =	vld [tilespmem:s6+$0x3440]  }
0xa4: {  	v10 =	vld [tilespmem:s5+$0x1450]  }
0xa5: {  	v11 =	vld [tilespmem:s6+$0x3450]  }
0xa6: {  	v12 =	vld [tilespmem:s5+$0x1460]  }
0xa7: {  	v13 =	vld [tilespmem:s6+$0x3460]  }
0xa8: {  	v14 =	vld [tilespmem:s5+$0x1470];
	v0 =	vmul.f32 v9, v0  }
0xa9: {  	v15 =	vld [tilespmem:s6+$0x3470]  }
0xaa: {  	v2 =	vmul.f32 v11, v10;
	v0 =	vadd.f32 $0.0e+00, v0;
	_ =	sdelay $0x1  }
0xab: {  	v16 =	vmul.f32 v13, v12;
	v0 =	vadd.f32 v2, v0;
	_ =	sdelay $0x1  }
0xac: {  	v1 =	vmul.f32 v15, v14;
	v0 =	vadd.f32 v16, v0;
	_ =	sdelay $0x1  }
0xad: {  	v0 =	vadd.f32 v1, v0;
	_ =	sdelay $0x1  }
0xae: {  	[tilespmem:$0x40B0] =	vst v0  }
0xaf: {  	v0 =	vld [tilespmem:s5+$0x1800]  }
0xb0: {  	v17 =	vld [tilespmem:s6+$0x3800]  }
0xb1: {  	v18 =	vld [tilespmem:s5+$0x1810]  }
0xb2: {  	v19 =	vld [tilespmem:s6+$0x3810]  }
0xb3: {  	v20 =	vld [tilespmem:s5+$0x1820]  }
0xb4: {  	v21 =	vld [tilespmem:s6+$0x3820]  }
0xb5: {  	v22 =	vld [tilespmem:s5+$0x1830];
	v0 =	vmul.f32 v17, v0  }
0xb6: {  	v23 =	vld [tilespmem:s6+$0x3830]  }
0xb7: {  	v2 =	vmul.f32 v19, v18;
	v0 =	vadd.f32 $0.0e+00, v0;
	_ =	sdelay $0x1  }
0xb8: {  	v24 =	vmul.f32 v21, v20;
	v0 =	vadd.f32 v2, v0;
	_ =	sdelay $0x1  }
0xb9: {  	v1 =	vmul.f32 v23, v22;
	v0 =	vadd.f32 v24, v0;
	_ =	sdelay $0x1  }
0xba: {  	v0 =	vadd.f32 v1, v0;
	_ =	sdelay $0x1  }
0xbb: {  	[tilespmem:$0x40C0] =	vst v0  }
0xbc: {  	v0 =	vld [tilespmem:s5+$0x1840]  }
0xbd: {  	v25 =	vld [tilespmem:s6+$0x3840]  }
0xbe: {  	v26 =	vld [tilespmem:s5+$0x1850]  }
0xbf: {  	v27 =	vld [tilespmem:s6+$0x3850]  }
0xc0: {  	v28 =	vld [tilespmem:s5+$0x1860]  }
0xc1: {  	v29 =	vld [tilespmem:s6+$0x3860]  }
0xc2: {  	v30 =	vld [tilespmem:s5+$0x1870];
	v0 =	vmul.f32 v25, v0  }
0xc3: {  	v31 =	vld [tilespmem:s6+$0x3870]  }
0xc4: {  	v2 =	vmul.f32 v27, v26;
	v0 =	vadd.f32 $0.0e+00, v0;
	_ =	sdelay $0x1  }
0xc5: {  	v32 =	vmul.f32 v29, v28;
	v0 =	vadd.f32 v2, v0;
	_ =	sdelay $0x1  }
0xc6: {  	v1 =	vmul.f32 v31, v30;
	v0 =	vadd.f32 v32, v0;
	_ =	sdelay $0x1  }
0xc7: {  	v0 =	vadd.f32 v1, v0;
	_ =	sdelay $0x1  }
0xc8: {  	[tilespmem:$0x40D0] =	vst v0  }
0xc9: {  	v0 =	vld [tilespmem:s5+$0x1C00]  }
0xca: {  	v33 =	vld [tilespmem:s6+$0x3C00]  }
0xcb: {  	v34 =	vld [tilespmem:s5+$0x1C10]  }
0xcc: {  	v35 =	vld [tilespmem:s6+$0x3C10]  }
0xcd: {  	v36 =	vld [tilespmem:s5+$0x1C20]  }
0xce: {  	v37 =	vld [tilespmem:s6+$0x3C20]  }
0xcf: {  	v38 =	vld [tilespmem:s5+$0x1C30];
	v0 =	vmul.f32 v33, v0  }
0xd0: {  	v39 =	vld [tilespmem:s6+$0x3C30]  }
0xd1: {  	v2 =	vmul.f32 v35, v34;
	v0 =	vadd.f32 $0.0e+00, v0;
	_ =	sdelay $0x1  }
0xd2: {  	v40 =	vmul.f32 v37, v36;
	v0 =	vadd.f32 v2, v0;
	_ =	sdelay $0x1  }
0xd3: {  	v1 =	vmul.f32 v39, v38;
	v0 =	vadd.f32 v40, v0;
	_ =	sdelay $0x1  }
0xd4: {  	v0 =	vadd.f32 v1, v0;
	_ =	sdelay $0x1  }
0xd5: {  	[tilespmem:$0x40E0] =	vst v0  }
0xd6: {  	v0 =	vld [tilespmem:s5+$0x1C40]  }
0xd7: {  	v41 =	vld [tilespmem:s6+$0x3C40]  }
0xd8: {  	v42 =	vld [tilespmem:s5+$0x1C50]  }
0xd9: {  	v43 =	vld [tilespmem:s6+$0x3C50]  }
0xda: {  	v44 =	vld [tilespmem:s5+$0x1C60]  }
0xdb: {  	v45 =	vld [tilespmem:s6+$0x3C60]  }
0xdc: {  	v46 =	vld [tilespmem:s5+$0x1C70];
	v0 =	vmul.f32 v41, v0  }
0xdd: {  	v47 =	vld [tilespmem:s6+$0x3C70]  }
0xde: {  	v2 =	vmul.f32 v43, v42;
	v0 =	vadd.f32 $0.0e+00, v0;
	_ =	sdelay $0x1  }
0xdf: {  	v48 =	vmul.f32 v45, v44;
	v0 =	vadd.f32 v2, v0;
	_ =	sdelay $0x1  }
0xe0: {  	v1 =	vmul.f32 v47, v46;
	v0 =	vadd.f32 v48, v0;
	_ =	sdelay $0x1  }
0xe1: {  	v0 =	vadd.f32 v1, v0;
	_ =	sdelay $0x1  }
0xe2: {  	[tilespmem:$0x40F0] =	vst v0  }
0xe3: {  	v0 =	vld [tilespmem:s5+$0x0]  }
0xe4: {  	v49 =	vld [tilespmem:s6+$0x2080]  }
0xe5: {  	v50 =	vld [tilespmem:s5+$0x10]  }
0xe6: {  	v51 =	vld [tilespmem:s6+$0x2090]  }
0xe7: {  	v52 =	vld [tilespmem:s5+$0x20]  }
0xe8: {  	v53 =	vld [tilespmem:s6+$0x20A0]  }
0xe9: {  	v54 =	vld [tilespmem:s5+$0x30];
	v0 =	vmul.f32 v49, v0  }
0xea: {  	v55 =	vld [tilespmem:s6+$0x20B0]  }
0xeb: {  	v2 =	vmul.f32 v51, v50;
	v0 =	vadd.f32 $0.0e+00, v0;
	_ =	sdelay $0x1  }
0xec: {  	v56 =	vmul.f32 v53, v52;
	v0 =	vadd.f32 v2, v0;
	_ =	sdelay $0x1  }
0xed: {  	v1 =	vmul.f32 v55, v54;
	v0 =	vadd.f32 v56, v0;
	_ =	sdelay $0x1  }
0xee: {  	v0 =	vadd.f32 v1, v0;
	_ =	sdelay $0x1  }
0xef: {  	[tilespmem:$0x4100] =	vst v0  }
0xf0: {  	v0 =	vld [tilespmem:s5+$0x40]  }
0xf1: {  	v57 =	vld [tilespmem:s6+$0x20C0]  }
0xf2: {  	v58 =	vld [tilespmem:s5+$0x50]  }
0xf3: {  	v59 =	vld [tilespmem:s6+$0x20D0]  }
0xf4: {  	v60 =	vld [tilespmem:s5+$0x60]  }
0xf5: {  	v61 =	vld [tilespmem:s6+$0x20E0]  }
0xf6: {  	v62 =	vld [tilespmem:s5+$0x70];
	v0 =	vmul.f32 v57, v0  }
0xf7: {  	v63 =	vld [tilespmem:s6+$0x20F0]  }
0xf8: {  	v2 =	vmul.f32 v59, v58;
	v0 =	vadd.f32 $0.0e+00, v0;
	_ =	sdelay $0x1  }
0xf9: {  	v8 =	vmul.f32 v61, v60;
	v0 =	vadd.f32 v2, v0;
	_ =	sdelay $0x1  }
0xfa: {  	v1 =	vmul.f32 v63, v62;
	v0 =	vadd.f32 v8, v0;
	_ =	sdelay $0x1  }
0xfb: {  	v0 =	vadd.f32 v1, v0;
	_ =	sdelay $0x1  }
0xfc: {  	[tilespmem:$0x4110] =	vst v0  }
0xfd: {  	v0 =	vld [tilespmem:s5+$0x400]  }
0xfe: {  	v9 =	vld [tilespmem:s6+$0x2480]  }
0xff: {  	v10 =	vld [tilespmem:s5+$0x410]  }
0x100: {  	v11 =	vld [tilespmem:s6+$0x2490]  }
0x101: {  	v12 =	vld [tilespmem:s5+$0x420]  }
0x102: {  	v13 =	vld [tilespmem:s6+$0x24A0]  }
0x103: {  	v14 =	vld [tilespmem:s5+$0x430];
	v0 =	vmul.f32 v9, v0  }
0x104: {  	v15 =	vld [tilespmem:s6+$0x24B0]  }
0x105: {  	v2 =	vmul.f32 v11, v10;
	v0 =	vadd.f32 $0.0e+00, v0;
	_ =	sdelay $0x1  }
0x106: {  	v16 =	vmul.f32 v13, v12;
	v0 =	vadd.f32 v2, v0;
	_ =	sdelay $0x1  }
0x107: {  	v1 =	vmul.f32 v15, v14;
	v0 =	vadd.f32 v16, v0;
	_ =	sdelay $0x1  }
0x108: {  	v0 =	vadd.f32 v1, v0;
	_ =	sdelay $0x1  }
0x109: {  	[tilespmem:$0x4120] =	vst v0  }
0x10a: {  	v0 =	vld [tilespmem:s5+$0x440]  }
0x10b: {  	v17 =	vld [tilespmem:s6+$0x24C0]  }
0x10c: {  	v18 =	vld [tilespmem:s5+$0x450]  }
0x10d: {  	v19 =	vld [tilespmem:s6+$0x24D0]  }
0x10e: {  	v20 =	vld [tilespmem:s5+$0x460]  }
0x10f: {  	v21 =	vld [tilespmem:s6+$0x24E0]  }
0x110: {  	v22 =	vld [tilespmem:s5+$0x470];
	v0 =	vmul.f32 v17, v0  }
0x111: {  	v23 =	vld [tilespmem:s6+$0x24F0]  }
0x112: {  	v2 =	vmul.f32 v19, v18;
	v0 =	vadd.f32 $0.0e+00, v0;
	_ =	sdelay $0x1  }
0x113: {  	v24 =	vmul.f32 v21, v20;
	v0 =	vadd.f32 v2, v0;
	_ =	sdelay $0x1  }
0x114: {  	v1 =	vmul.f32 v23, v22;
	v0 =	vadd.f32 v24, v0;
	_ =	sdelay $0x1  }
0x115: {  	v0 =	vadd.f32 v1, v0;
	_ =	sdelay $0x1  }
0x116: {  	[tilespmem:$0x4130] =	vst v0  }
0x117: {  	v0 =	vld [tilespmem:s5+$0x800]  }
0x118: {  	v25 =	vld [tilespmem:s6+$0x2880]  }
0x119: {  	v26 =	vld [tilespmem:s5+$0x810]  }
0x11a: {  	v27 =	vld [tilespmem:s6+$0x2890]  }
0x11b: {  	v28 =	vld [tilespmem:s5+$0x820]  }
0x11c: {  	v29 =	vld [tilespmem:s6+$0x28A0]  }
0x11d: {  	v30 =	vld [tilespmem:s5+$0x830];
	v0 =	vmul.f32 v25, v0  }
0x11e: {  	v31 =	vld [tilespmem:s6+$0x28B0]  }
0x11f: {  	v2 =	vmul.f32 v27, v26;
	v0 =	vadd.f32 $0.0e+00, v0;
	_ =	sdelay $0x1  }
0x120: {  	v32 =	vmul.f32 v29, v28;
	v0 =	vadd.f32 v2, v0;
	_ =	sdelay $0x1  }
0x121: {  	v1 =	vmul.f32 v31, v30;
	v0 =	vadd.f32 v32, v0;
	_ =	sdelay $0x1  }
0x122: {  	v0 =	vadd.f32 v1, v0;
	_ =	sdelay $0x1  }
0x123: {  	[tilespmem:$0x4140] =	vst v0  }
0x124: {  	v0 =	vld [tilespmem:s5+$0x840]  }
0x125: {  	v33 =	vld [tilespmem:s6+$0x28C0]  }
0x126: {  	v34 =	vld [tilespmem:s5+$0x850]  }
0x127: {  	v35 =	vld [tilespmem:s6+$0x28D0]  }
0x128: {  	v36 =	vld [tilespmem:s5+$0x860]  }
0x129: {  	v37 =	vld [tilespmem:s6+$0x28E0]  }
0x12a: {  	v38 =	vld [tilespmem:s5+$0x870];
	v0 =	vmul.f32 v33, v0  }
0x12b: {  	v39 =	vld [tilespmem:s6+$0x28F0]  }
0x12c: {  	v2 =	vmul.f32 v35, v34;
	v0 =	vadd.f32 $0.0e+00, v0;
	_ =	sdelay $0x1  }
0x12d: {  	v40 =	vmul.f32 v37, v36;
	v0 =	vadd.f32 v2, v0;
	_ =	sdelay $0x1  }
0x12e: {  	v1 =	vmul.f32 v39, v38;
	v0 =	vadd.f32 v40, v0;
	_ =	sdelay $0x1  }
0x12f: {  	v0 =	vadd.f32 v1, v0;
	_ =	sdelay $0x1  }
0x130: {  	[tilespmem:$0x4150] =	vst v0  }
0x131: {  	v0 =	vld [tilespmem:s5+$0xC00]  }
0x132: {  	v41 =	vld [tilespmem:s6+$0x2C80]  }
0x133: {  	v42 =	vld [tilespmem:s5+$0xC10]  }
0x134: {  	v43 =	vld [tilespmem:s6+$0x2C90]  }
0x135: {  	v44 =	vld [tilespmem:s5+$0xC20]  }
0x136: {  	v45 =	vld [tilespmem:s6+$0x2CA0]  }
0x137: {  	v46 =	vld [tilespmem:s5+$0xC30];
	v0 =	vmul.f32 v41, v0  }
0x138: {  	v47 =	vld [tilespmem:s6+$0x2CB0]  }
0x139: {  	v2 =	vmul.f32 v43, v42;
	v0 =	vadd.f32 $0.0e+00, v0;
	_ =	sdelay $0x1  }
0x13a: {  	v48 =	vmul.f32 v45, v44;
	v0 =	vadd.f32 v2, v0;
	_ =	sdelay $0x1  }
0x13b: {  	v1 =	vmul.f32 v47, v46;
	v0 =	vadd.f32 v48, v0;
	_ =	sdelay $0x1  }
0x13c: {  	v0 =	vadd.f32 v1, v0;
	_ =	sdelay $0x1  }
0x13d: {  	[tilespmem:$0x4160] =	vst v0  }
0x13e: {  	v0 =	vld [tilespmem:s5+$0xC40]  }
0x13f: {  	v49 =	vld [tilespmem:s6+$0x2CC0]  }
0x140: {  	v50 =	vld [tilespmem:s5+$0xC50]  }
0x141: {  	v51 =	vld [tilespmem:s6+$0x2CD0]  }
0x142: {  	v52 =	vld [tilespmem:s5+$0xC60]  }
0x143: {  	v53 =	vld [tilespmem:s6+$0x2CE0]  }
0x144: {  	v54 =	vld [tilespmem:s5+$0xC70];
	v0 =	vmul.f32 v49, v0  }
0x145: {  	v55 =	vld [tilespmem:s6+$0x2CF0]  }
0x146: {  	v2 =	vmul.f32 v51, v50;
	v0 =	vadd.f32 $0.0e+00, v0;
	_ =	sdelay $0x1  }
0x147: {  	v56 =	vmul.f32 v53, v52;
	v0 =	vadd.f32 v2, v0;
	_ =	sdelay $0x1  }
0x148: {  	v1 =	vmul.f32 v55, v54;
	v0 =	vadd.f32 v56, v0;
	_ =	sdelay $0x1  }
0x149: {  	v0 =	vadd.f32 v1, v0;
	_ =	sdelay $0x1  }
0x14a: {  	[tilespmem:$0x4170] =	vst v0  }
0x14b: {  	v0 =	vld [tilespmem:s5+$0x1000]  }
0x14c: {  	v57 =	vld [tilespmem:s6+$0x3080]  }
0x14d: {  	v58 =	vld [tilespmem:s5+$0x1010]  }
0x14e: {  	v59 =	vld [tilespmem:s6+$0x3090]  }
0x14f: {  	v60 =	vld [tilespmem:s5+$0x1020]  }
0x150: {  	v61 =	vld [tilespmem:s6+$0x30A0]  }
0x151: {  	v62 =	vld [tilespmem:s5+$0x1030];
	v0 =	vmul.f32 v57, v0  }
0x152: {  	v63 =	vld [tilespmem:s6+$0x30B0]  }
0x153: {  	v2 =	vmul.f32 v59, v58;
	v0 =	vadd.f32 $0.0e+00, v0;
	_ =	sdelay $0x1  }
0x154: {  	v7 =	vmul.f32 v61, v60;
	v0 =	vadd.f32 v2, v0;
	_ =	sdelay $0x1  }
0x155: {  	v1 =	vmul.f32 v63, v62;
	v0 =	vadd.f32 v7, v0;
	_ =	sdelay $0x1  }
0x156: {  	v0 =	vadd.f32 v1, v0;
	_ =	sdelay $0x1  }
0x157: {  	[tilespmem:$0x4180] =	vst v0  }
0x158: {  	v0 =	vld [tilespmem:s5+$0x1040]  }
0x159: {  	v8 =	vld [tilespmem:s6+$0x30C0]  }
0x15a: {  	v9 =	vld [tilespmem:s5+$0x1050]  }
0x15b: {  	v10 =	vld [tilespmem:s6+$0x30D0]  }
0x15c: {  	v11 =	vld [tilespmem:s5+$0x1060]  }
0x15d: {  	v12 =	vld [tilespmem:s6+$0x30E0]  }
0x15e: {  	v13 =	vld [tilespmem:s5+$0x1070];
	v0 =	vmul.f32 v8, v0  }
0x15f: {  	v14 =	vld [tilespmem:s6+$0x30F0]  }
0x160: {  	v2 =	vmul.f32 v10, v9;
	v0 =	vadd.f32 $0.0e+00, v0;
	_ =	sdelay $0x1  }
0x161: {  	v15 =	vmul.f32 v12, v11;
	v0 =	vadd.f32 v2, v0;
	_ =	sdelay $0x1  }
0x162: {  	v1 =	vmul.f32 v14, v13;
	v0 =	vadd.f32 v15, v0;
	_ =	sdelay $0x1  }
0x163: {  	v0 =	vadd.f32 v1, v0;
	_ =	sdelay $0x1  }
0x164: {  	[tilespmem:$0x4190] =	vst v0  }
0x165: {  	v0 =	vld [tilespmem:s5+$0x1400]  }
0x166: {  	v16 =	vld [tilespmem:s6+$0x3480]  }
0x167: {  	v17 =	vld [tilespmem:s5+$0x1410]  }
0x168: {  	v18 =	vld [tilespmem:s6+$0x3490]  }
0x169: {  	v19 =	vld [tilespmem:s5+$0x1420]  }
0x16a: {  	v20 =	vld [tilespmem:s6+$0x34A0]  }
0x16b: {  	v21 =	vld [tilespmem:s5+$0x1430];
	v0 =	vmul.f32 v16, v0  }
0x16c: {  	v22 =	vld [tilespmem:s6+$0x34B0]  }
0x16d: {  	v2 =	vmul.f32 v18, v17;
	v0 =	vadd.f32 $0.0e+00, v0;
	_ =	sdelay $0x1  }
0x16e: {  	v23 =	vmul.f32 v20, v19;
	v0 =	vadd.f32 v2, v0;
	_ =	sdelay $0x1  }
0x16f: {  	v1 =	vmul.f32 v22, v21;
	v0 =	vadd.f32 v23, v0;
	_ =	sdelay $0x1  }
0x170: {  	v0 =	vadd.f32 v1, v0;
	_ =	sdelay $0x1  }
0x171: {  	[tilespmem:$0x41A0] =	vst v0  }
0x172: {  	v0 =	vld [tilespmem:s5+$0x1440]  }
0x173: {  	v24 =	vld [tilespmem:s6+$0x34C0]  }
0x174: {  	v25 =	vld [tilespmem:s5+$0x1450]  }
0x175: {  	v26 =	vld [tilespmem:s6+$0x34D0]  }
0x176: {  	v27 =	vld [tilespmem:s5+$0x1460]  }
0x177: {  	v28 =	vld [tilespmem:s6+$0x34E0]  }
0x178: {  	v29 =	vld [tilespmem:s5+$0x1470];
	v0 =	vmul.f32 v24, v0  }
0x179: {  	v30 =	vld [tilespmem:s6+$0x34F0]  }
0x17a: {  	v2 =	vmul.f32 v26, v25;
	v0 =	vadd.f32 $0.0e+00, v0;
	_ =	sdelay $0x1  }
0x17b: {  	v31 =	vmul.f32 v28, v27;
	v0 =	vadd.f32 v2, v0;
	_ =	sdelay $0x1  }
0x17c: {  	v1 =	vmul.f32 v30, v29;
	v0 =	vadd.f32 v31, v0;
	_ =	sdelay $0x1  }
0x17d: {  	v0 =	vadd.f32 v1, v0;
	_ =	sdelay $0x1  }
0x17e: {  	[tilespmem:$0x41B0] =	vst v0  }
0x17f: {  	v0 =	vld [tilespmem:s5+$0x1800]  }
0x180: {  	v32 =	vld [tilespmem:s6+$0x3880]  }
0x181: {  	v33 =	vld [tilespmem:s5+$0x1810]  }
0x182: {  	v34 =	vld [tilespmem:s6+$0x3890]  }
0x183: {  	v35 =	vld [tilespmem:s5+$0x1820]  }
0x184: {  	v36 =	vld [tilespmem:s6+$0x38A0]  }
0x185: {  	v37 =	vld [tilespmem:s5+$0x1830];
	v0 =	vmul.f32 v32, v0  }
0x186: {  	v38 =	vld [tilespmem:s6+$0x38B0]  }
0x187: {  	v2 =	vmul.f32 v34, v33;
	v0 =	vadd.f32 $0.0e+00, v0;
	_ =	sdelay $0x1  }
0x188: {  	v39 =	vmul.f32 v36, v35;
	v0 =	vadd.f32 v2, v0;
	_ =	sdelay $0x1  }
0x189: {  	v1 =	vmul.f32 v38, v37;
	v0 =	vadd.f32 v39, v0;
	_ =	sdelay $0x1  }
0x18a: {  	v0 =	vadd.f32 v1, v0;
	_ =	sdelay $0x1  }
0x18b: {  	[tilespmem:$0x41C0] =	vst v0  }
0x18c: {  	v0 =	vld [tilespmem:s5+$0x1840]  }
0x18d: {  	v40 =	vld [tilespmem:s6+$0x38C0]  }
0x18e: {  	v41 =	vld [tilespmem:s5+$0x1850]  }
0x18f: {  	v42 =	vld [tilespmem:s6+$0x38D0]  }
0x190: {  	v43 =	vld [tilespmem:s5+$0x1860]  }
0x191: {  	v44 =	vld [tilespmem:s6+$0x38E0]  }
0x192: {  	v45 =	vld [tilespmem:s5+$0x1870];
	v0 =	vmul.f32 v40, v0  }
0x193: {  	v46 =	vld [tilespmem:s6+$0x38F0]  }
0x194: {  	v2 =	vmul.f32 v42, v41;
	v0 =	vadd.f32 $0.0e+00, v0;
	_ =	sdelay $0x1  }
0x195: {  	v47 =	vmul.f32 v44, v43;
	v0 =	vadd.f32 v2, v0;
	_ =	sdelay $0x1  }
0x196: {  	v1 =	vmul.f32 v46, v45;
	v0 =	vadd.f32 v47, v0;
	_ =	sdelay $0x1  }
0x197: {  	v0 =	vadd.f32 v1, v0;
	_ =	sdelay $0x1  }
0x198: {  	[tilespmem:$0x41D0] =	vst v0  }
0x199: {  	v0 =	vld [tilespmem:s5+$0x1C00]  }
0x19a: {  	v48 =	vld [tilespmem:s6+$0x3C80]  }
0x19b: {  	v49 =	vld [tilespmem:s5+$0x1C10]  }
0x19c: {  	v50 =	vld [tilespmem:s6+$0x3C90]  }
0x19d: {  	v51 =	vld [tilespmem:s5+$0x1C20]  }
0x19e: {  	v52 =	vld [tilespmem:s6+$0x3CA0]  }
0x19f: {  	v53 =	vld [tilespmem:s5+$0x1C30];
	v0 =	vmul.f32 v48, v0  }
0x1a0: {  	v54 =	vld [tilespmem:s6+$0x3CB0]  }
0x1a1: {  	v2 =	vmul.f32 v50, v49;
	v0 =	vadd.f32 $0.0e+00, v0;
	_ =	sdelay $0x1  }
0x1a2: {  	v55 =	vmul.f32 v52, v51;
	v0 =	vadd.f32 v2, v0;
	_ =	sdelay $0x1  }
0x1a3: {  	v1 =	vmul.f32 v54, v53;
	v0 =	vadd.f32 v55, v0;
	_ =	sdelay $0x1  }
0x1a4: {  	v0 =	vadd.f32 v1, v0;
	_ =	sdelay $0x1  }
0x1a5: {  	[tilespmem:$0x41E0] =	vst v0  }
0x1a6: {  	v0 =	vld [tilespmem:s5+$0x1C40]  }
0x1a7: {  	v56 =	vld [tilespmem:s6+$0x3CC0]  }
0x1a8: {  	v57 =	vld [tilespmem:s5+$0x1C50]  }
0x1a9: {  	v58 =	vld [tilespmem:s6+$0x3CD0]  }
0x1aa: {  	v59 =	vld [tilespmem:s5+$0x1C60]  }
0x1ab: {  	v60 =	vld [tilespmem:s6+$0x3CE0]  }
0x1ac: {  	v61 =	vld [tilespmem:s7+$0x0];
	v0 =	vmul.f32 v56, v0  }
0x1ad: {  	v62 =	vld [tilespmem:s6+$0x3CF0]  }
0x1ae: {  	v2 =	vmul.f32 v58, v57;
	v0 =	vadd.f32 $0.0e+00, v0;
	_ =	sdelay $0x1  }
0x1af: {  	v63 =	vmul.f32 v60, v59;
	v0 =	vadd.f32 v2, v0;
	_ =	sdelay $0x1  }
0x1b0: {  	v1 =	vmul.f32 v62, v61;
	v0 =	vadd.f32 v63, v0;
	_ =	sdelay $0x1  }
0x1b1: {  	v0 =	vadd.f32 v1, v0  }
0x1b2: {  	p0 =	sne.s32 s9, $0x1  }
.Ltmp0:
0x1b3: {  	[tilespmem:$0x41F0] =	vst v0;
	(pc) =	sbr.rel @p0 .LBB2_1-.Ltmp0, $4  }
0x1b4: {  	[hbm4b:s8+s4] =	stream.linear.scatter [tilespmem:s12], [sflag:$0x1], $0x200, $0x38;
	[tilespmem:$0x4200] =	vst v63  }
0x1b5: {  	_ =	swait.ge [sflag:s10], $0x200  }
0x1b6: {  	[sflag:s10] =	ssyncset.done $0x0  }
0x1b7: {  	s9 =	sadd.s32 $0xFFFFFFFF, s9;
	[sflag:s10] =	ssyncadd.s32 $0xFFFFFE00  }
0x1b8: {  	_ =	sfence.sel $0x180000  }
0x1b9: {  	[bflag:$0x0] =	sbarrier.arrive $0xFFFF  }
0x1ba: {  	p0 =	sne.s32 s0, $0x0;
	_ =	strace $0x90000047  }
0x1bb: {  	s0 =	sadd.s32 @!p0 $0x100000, s2;
	[bflag:$0x2] =	sbarrier.arrive $0xFFFF  }
0x1bc: {  	[sflag:s0] =	ssyncadd.tile.s32 @!p0 $0x1;
	_ =	shalt  }
.Lfunc_end2:
_tile_overlayer_lowered:
.L_overlay_start_2:
0x1bd: {  	(tag) =	ssettag $0x2  }
0x1be: {  	s0 =	rddreg [dreg:$0x0];
	s2 =	stileid.u32  }
0x1bf: {  	s1 =	rddreg [dreg:$0x1];
	p0 =	sne.s32 s2, $0x0  }
0x1c0: {  	s3 =	rddreg [dreg:$0x2];
	[bflag:$0x3] =	sbarrier.arrive $0xFFFF;
	s2 =	simm.s32 @!p0 $0x1C01  }
0x1c1: {  	[timem:s3], [sflag:s2] =	dma.local @!p0 [hbm:s0], s1  }
0x1c2: {  	s0 =	simm.s32 @!p0 $0x1  }
0x1c3: {  	_ =	swait.ge @!p0 [sflag:s0], s1  }
0x1c4: {  	s1 =	ssub.s32 @!p0 $0x0, s1;
	[sflag:s0] =	ssyncset.done @!p0 $0x0  }
0x1c5: {  	[sflag:s0] =	ssyncadd.s32 @!p0 s1  }
0x1c6: {  	[bflag:$0x3] =	sbarrier.arrive $0xFFFF  }
0x1c7: {  	_ =	shalt  }

</sc_bundles>
